<compile_context>
chip_gen: v7x
topology: tpu7x:2x2x1
jax: 0.10.2.dev20260603
libtpu: 0.0.44.dev20260713+nightly
codegen_flags: <defaults>
</compile_context>

<pallas_src>
import dataclasses
import functools

import jax
import jax.numpy as jnp
from jax import lax
from jax.experimental import pallas as pl
from jax.experimental.pallas import tpu as pltpu
from jax.experimental.pallas import tpu_sc as plsc

N = 10000
E = 320000
D = 128
BN_EPS = 1e-5

NC = 2
NS = 16
NW = NC * NS
EPW = E // NW
K = 128
NFULL = EPW // K
TAIL = EPW - NFULL * K
S0 = 624
SLAST = N - (NS - 1) * S0

_mesh = plsc.VectorSubcoreMesh(core_axis_name="c", subcore_axis_name="s")

L = 16
NROW = 80

_cp_novec = pltpu.CompilerParams()
if "needs_layout_passes" in pltpu.CompilerParams.__dataclass_fields__:
    _cp_novec = dataclasses.replace(_cp_novec, needs_layout_passes=False)


def _striped(s, fn):
    @pl.when(s < NS - 1)
    def _():
        fn(s * S0, S0)

    @pl.when(s == NS - 1)
    def _():
        fn((NS - 1) * S0, SLAST)



@functools.partial(
    pl.kernel,
    mesh=_mesh,
    compiler_params=_cp_novec,
    out_type=jax.ShapeDtypeStruct((NC, NROW, 128), jnp.float32),
    scratch_types=[
        pltpu.VMEM((K,), jnp.int32),
        pltpu.VMEM((K,), jnp.int32),
        pltpu.VMEM((TAIL,), jnp.int32),
        pltpu.VMEM((NROW,), jnp.int32),
        pltpu.VMEM((NROW, 128), jnp.float32),
        pltpu.VMEM_SHARED((NROW, 128), jnp.float32),
        pltpu.SemaphoreType.DMA,
        pltpu.SemaphoreType.DMA,
    ],
)
def _deg_kernel(dst_hbm, iota_hbm, zhist_hbm, out_hbm,
                idx0, idx1, idxt, iota_v, hist_v, acc_sh, sem0, sem1):
    c = lax.axis_index("c")
    s = lax.axis_index("s")
    wid = s * NC + c
    base0 = wid * EPW

    def load_idx(g, buf, sem):
        pltpu.async_copy(dst_hbm.at[pl.ds(base0 + g * K, K)], buf, sem)

    def wait_idx(g, buf, sem):
        pltpu.make_async_copy(dst_hbm.at[pl.ds(base0 + g * K, K)], buf, sem).wait()

    load_idx(0, idx0, sem0)
    load_idx(1, idx1, sem1)
    pltpu.sync_copy(iota_hbm, iota_v)
    pltpu.sync_copy(zhist_hbm, hist_v)

    @pl.when(s == 0)
    def _():
        pltpu.sync_copy(zhist_hbm, acc_sh)

    ones = jnp.ones((L,), jnp.float32)

    def hist_chunk(buf, nvec):
        @pl.loop(0, nvec)
        def _(i):
            iv = buf[pl.ds(i * L, L)]
            plsc.addupdate_scatter(hist_v, [iv >> 7, iv & 127], ones)

    wait_idx(0, idx0, sem0)

    @pl.loop(0, NFULL // 2)
    def _(p):
        ga = 2 * p
        gb = 2 * p + 1
        hist_chunk(idx0, K // L)

        @pl.when(p < NFULL // 2 - 1)
        def _():
            load_idx(ga + 2, idx0, sem0)

        wait_idx(gb, idx1, sem1)
        hist_chunk(idx1, K // L)

        @pl.when(p < NFULL // 2 - 1)
        def _():
            load_idx(gb + 2, idx1, sem1)
            wait_idx(ga + 2, idx0, sem0)

    pltpu.sync_copy(dst_hbm.at[pl.ds(base0 + NFULL * K, TAIL)], idxt)
    hist_chunk(idxt, TAIL // L)

    plsc.subcore_barrier()
    pltpu.sync_copy(hist_v, acc_sh.at[iota_v], add=True)
    plsc.subcore_barrier()

    @pl.when(s == 0)
    def _():
        pltpu.sync_copy(acc_sh, out_hbm.at[c])



@functools.partial(
    pl.kernel,
    mesh=_mesh,
    out_type=jax.ShapeDtypeStruct((NC, N, D), jnp.float32),
    scratch_types=[
        pltpu.VMEM((K,), jnp.int32),
        pltpu.VMEM((K,), jnp.int32),
        pltpu.VMEM((K,), jnp.int32),
        pltpu.VMEM((K,), jnp.int32),
        pltpu.VMEM((TAIL,), jnp.int32),
        pltpu.VMEM((TAIL,), jnp.int32),
        pltpu.VMEM((K, D), jnp.float32),
        pltpu.VMEM((K, D), jnp.float32),
        pltpu.VMEM_SHARED((N, D), jnp.float32),
        pltpu.SemaphoreType.DMA,
        pltpu.SemaphoreType.DMA,
        pltpu.SemaphoreType.DMA,
        pltpu.SemaphoreType.DMA,
        pltpu.SemaphoreType.DMA,
        pltpu.SemaphoreType.DMA,
    ],
)
def _edge_kernel(scaled_hbm, src_hbm, dst_hbm, zrow_hbm, out_hbm,
                 src0, src1, dst0, dst1, srct, dstt, rows0, rows1, acc_sh,
                 gsem0, gsem1, ss0, ss1, sd0, sd1):
    c = lax.axis_index("c")
    s = lax.axis_index("s")
    wid = s * NC + c
    base0 = wid * EPW
    half = NFULL // 2

    def load(arr, g, buf, sem):
        pltpu.async_copy(arr.at[pl.ds(base0 + g * K, K)], buf, sem)

    def drain(arr, g, buf, sem):
        pltpu.make_async_copy(arr.at[pl.ds(base0 + g * K, K)], buf, sem).wait()

    def gather(sbuf, rbuf, gsem):
        pltpu.async_copy(scaled_hbm.at[sbuf], rbuf, gsem)

    def wait_gather(sbuf, rbuf, gsem):
        pltpu.make_async_copy(scaled_hbm.at[sbuf], rbuf, gsem).wait()

    load(src_hbm, 0, src0, ss0)
    load(dst_hbm, 0, dst0, sd0)
    load(src_hbm, 1, src1, ss1)
    load(dst_hbm, 1, dst1, sd1)

    @pl.when(c == 0)
    def _():
        _striped(s, lambda o, n: pltpu.sync_copy(scaled_hbm.at[pl.ds(o, n)],
                                                 acc_sh.at[pl.ds(o, n)]))

    @pl.when(c != 0)
    def _():
        _striped(s, lambda o, n: pltpu.sync_copy(zrow_hbm.at[pl.ds(0, n)],
                                                 acc_sh.at[pl.ds(o, n)]))

    drain(src_hbm, 0, src0, ss0)
    drain(dst_hbm, 0, dst0, sd0)
    drain(src_hbm, 1, src1, ss1)
    drain(dst_hbm, 1, dst1, sd1)
    plsc.subcore_barrier()

    gather(src0, rows0, gsem0)

    @pl.loop(0, half)
    def _(p):
        ga = 2 * p
        gb = 2 * p + 1
        @pl.when(p > 0)
        def _():
            drain(src_hbm, gb, src1, ss1)

        gather(src1, rows1, gsem1)
        wait_gather(src0, rows0, gsem0)

        @pl.when(p < half - 1)
        def _():
            load(src_hbm, ga + 2, src0, ss0)

        @pl.when(p > 0)
        def _():
            drain(dst_hbm, ga, dst0, sd0)

        pltpu.sync_copy(rows0, acc_sh.at[dst0], add=True)

        @pl.when(p < half - 1)
        def _():
            load(dst_hbm, ga + 2, dst0, sd0)
            drain(src_hbm, ga + 2, src0, ss0)
            gather(src0, rows0, gsem0)

        wait_gather(src1, rows1, gsem1)

        @pl.when(p > 0)
        def _():
            drain(dst_hbm, gb, dst1, sd1)

        pltpu.sync_copy(rows1, acc_sh.at[dst1], add=True)

        @pl.when(p < half - 1)
        def _():
            load(src_hbm, gb + 2, src1, ss1)
            load(dst_hbm, gb + 2, dst1, sd1)

    pltpu.sync_copy(src_hbm.at[pl.ds(base0 + NFULL * K, TAIL)], srct)
    pltpu.sync_copy(dst_hbm.at[pl.ds(base0 + NFULL * K, TAIL)], dstt)
    pltpu.async_copy(scaled_hbm.at[srct], rows0.at[pl.ds(0, TAIL)], gsem0).wait()
    pltpu.sync_copy(rows0.at[pl.ds(0, TAIL)], acc_sh.at[dstt], add=True)
    plsc.subcore_barrier()
    _striped(s, lambda o, n: pltpu.sync_copy(acc_sh.at[pl.ds(o, n)],
                                             out_hbm.at[c, pl.ds(o, n)]))



_BN = 5000


def _mm_scale_body(x_ref, w_ref, d_ref, o_ref):
    deg = d_ref[0] + d_ref[1] + 1.0
    xw = jnp.dot(x_ref[...], w_ref[...], preferred_element_type=jnp.float32)
    o_ref[...] = xw * lax.rsqrt(deg)


def _mm_scale(x, W, degn):
    return pl.pallas_call(
        _mm_scale_body,
        grid=(N // _BN,),
        in_specs=[pl.BlockSpec((_BN, D), lambda i: (i, 0)),
                  pl.BlockSpec((D, D), lambda i: (0, 0)),
                  pl.BlockSpec((NC, _BN, 1), lambda i: (0, i, 0))],
        out_specs=pl.BlockSpec((_BN, D), lambda i: (i, 0)),
        out_shape=jax.ShapeDtypeStruct((N, D), jnp.float32),
    )(x, W, degn)


def _final_body(p_ref, d_ref, lx_ref, b_ref, g_ref, bt_ref, rm_ref, rv_ref, o_ref):
    deg = d_ref[0] + d_ref[1] + 1.0
    dis = lax.rsqrt(deg)
    acc = (p_ref[0] + p_ref[1]) * dis
    bn_scale = g_ref[...] * lax.rsqrt(rv_ref[...] + BN_EPS)
    h = (acc + b_ref[...] - rm_ref[...]) * bn_scale + bt_ref[...]
    o_ref[...] = jnp.maximum(h, 0.0) + lx_ref[...]


def _final(parts, degp, last_x, b, gamma, beta, rm, rv):
    vec = pl.BlockSpec((1, D), lambda i: (0, 0))
    return pl.pallas_call(
        _final_body,
        grid=(N // _BN,),
        in_specs=[pl.BlockSpec((NC, _BN, D), lambda i: (0, i, 0)),
                  pl.BlockSpec((NC, _BN, 1), lambda i: (0, i, 0)),
                  pl.BlockSpec((_BN, D), lambda i: (i, 0)),
                  vec, vec, vec, vec, vec],
        out_specs=pl.BlockSpec((_BN, D), lambda i: (i, 0)),
        out_shape=jax.ShapeDtypeStruct((N, D), jnp.float32),
    )(parts, degp, last_x, b, gamma, beta, rm, rv)



def kernel(x, last_x, edge_index, W, b, gamma, beta, running_mean, running_var):
    src = edge_index[0]
    dst = edge_index[1]
    iota = jnp.arange(NROW, dtype=jnp.int32)
    zhist = jnp.zeros((NROW, 128), jnp.float32)
    zrow = jnp.zeros((SLAST, D), jnp.float32)

    degp = _deg_kernel(dst, iota, zhist)
    degn = degp.reshape(NC, NROW * 128)[:, :N].reshape(NC, N, 1)
    scaled = _mm_scale(x, W, degn)
    parts = _edge_kernel(scaled, src, dst, zrow)
    return _final(parts, degn, last_x,
                  b.reshape(1, D), gamma.reshape(1, D), beta.reshape(1, D),
                  running_mean.reshape(1, D), running_var.reshape(1, D))

# --- scband reference (transcript-rebuilt; emitter-appended) ---
"""Pipeline reference for scband-graph-block-1949915152398 (READ-ONLY COPY).

The authoritative reference and input builder live on the scoring server;
editing this copy changes nothing except your own understanding.
"""

import jax, jax.numpy as jnp
import numpy as np

N = 10000
E = 320000
D = 128
BN_EPS = 1e-5


def setup_inputs(seed: int = 0) -> dict:
    key = jax.random.key(seed)
    ks = jax.random.split(key, 5)
    x = jax.random.normal(ks[0], (N, D), dtype=jnp.float32)
    last_x = jax.random.normal(ks[1], (N, D), dtype=jnp.float32)
    edge_index = jax.random.randint(ks[2], (2, E), 0, N, dtype=jnp.int32)
    # GCNConv parameters (Glorot-ish init) and bias
    W = jax.random.normal(ks[3], (D, D), dtype=jnp.float32) * (1.0 / np.sqrt(D))
    b = jnp.zeros((D,), dtype=jnp.float32)
    # BatchNorm1d parameters and running stats (eval mode)
    gamma = jnp.ones((D,), dtype=jnp.float32)
    beta = jnp.zeros((D,), dtype=jnp.float32)
    running_mean = jnp.zeros((D,), dtype=jnp.float32)
    running_var = jnp.ones((D,), dtype=jnp.float32)
    return {"x": x, "last_x": last_x, "edge_index": edge_index, "W": W, "b": b,
            "gamma": gamma, "beta": beta, "running_mean": running_mean, "running_var": running_var}


def reference(x, last_x, edge_index, W, b, gamma, beta, running_mean, running_var):
    # --- GCNConv(hidden, hidden) with add_self_loops + symmetric normalization ---
    loop = jnp.arange(N, dtype=edge_index.dtype)
    src = jnp.concatenate([edge_index[0], loop])
    dst = jnp.concatenate([edge_index[1], loop])
    xw = x @ W
    ones = jnp.ones((src.shape[0],), dtype=jnp.float32)
    deg = jax.ops.segment_sum(ones, dst, num_segments=N)
    deg_inv_sqrt = jnp.where(deg > 0, 1.0 / jnp.sqrt(deg), 0.0)
    norm = deg_inv_sqrt[src] * deg_inv_sqrt[dst]
    msgs = xw[src] * norm[:, None]
    out = jax.ops.segment_sum(msgs, dst, num_segments=N) + b
    # --- BatchNorm1d (eval mode: running stats) ---
    h = (out - running_mean) / jnp.sqrt(running_var + BN_EPS) * gamma + beta
    # --- ReLU ---
    h = jnp.maximum(h, 0.0)
    # --- Dropout (eval mode: identity) ---
    # --- Residual ---
    return h + last_x

if __name__ == "__main__":
    import jax
    _d = setup_inputs()
    print(jax.jit(kernel)(*tuple(_d.values())))

</pallas_src>

<mosaic_0001>
#map = affine_map<(d0, d1) -> (0, 0)>
#map1 = affine_map<(d0, d1) -> (0)>
#map2 = affine_map<(d0, d1) -> (0, 0, 0)>
module attributes {stable_mosaic.version = 14 : i64} {
  func.func @_edge_kernel(%arg0: i32, %arg1: i32, %arg2: memref<10000x128xf32, #tpu.memory_space<hbm>>, %arg3: memref<320000xi32, #tpu.memory_space<hbm>>, %arg4: memref<320000xi32, #tpu.memory_space<hbm>>, %arg5: memref<640x128xf32, #tpu.memory_space<hbm>>, %arg6: memref<2x10000x128xf32, #tpu.memory_space<hbm>>, %arg7: memref<128xi32, #tpu.memory_space<vmem>>, %arg8: memref<128xi32, #tpu.memory_space<vmem>>, %arg9: memref<128xi32, #tpu.memory_space<vmem>>, %arg10: memref<128xi32, #tpu.memory_space<vmem>>, %arg11: memref<16xi32, #tpu.memory_space<vmem>>, %arg12: memref<16xi32, #tpu.memory_space<vmem>>, %arg13: memref<128x128xf32, #tpu.memory_space<vmem>>, %arg14: memref<128x128xf32, #tpu.memory_space<vmem>>, %arg15: memref<10000x128xf32, #tpu.memory_space<vmem_shared>>, %arg16: memref<!tpu.dma_semaphore, #tpu.memory_space<semaphore_mem>>, %arg17: memref<!tpu.dma_semaphore, #tpu.memory_space<semaphore_mem>>, %arg18: memref<!tpu.dma_semaphore, #tpu.memory_space<semaphore_mem>>, %arg19: memref<!tpu.dma_semaphore, #tpu.memory_space<semaphore_mem>>, %arg20: memref<!tpu.dma_semaphore, #tpu.memory_space<semaphore_mem>>, %arg21: memref<!tpu.dma_semaphore, #tpu.memory_space<semaphore_mem>>) attributes {dimension_semantics = [#tpu.dimension_semantics<core_parallel>, #tpu.dimension_semantics<subcore_parallel>], iteration_bounds = array<i64: 2, 16>, scalar_prefetch = 0 : i64, scratch_operands = 15 : i64, tpu.core_type = #tpu.core_type<sc_vector_subcore>, window_params = [{transform_indices = #map}, {transform_indices = #map1}, {transform_indices = #map1}, {transform_indices = #map}, {transform_indices = #map2}]} {
    %mul3A = arith.constant 2 : i32
    %mul3A_0 = arith.muli %arg1, %mul3A : i32
    %add3A = arith.addi %mul3A_0, %arg0 : i32
    %mul3A_1 = arith.constant 10000 : i32
    %mul3A_2 = arith.muli %add3A, %mul3A_1 : i32
    %add3A_3 = arith.constant 0 : i32
    %add3A_4 = arith.addi %mul3A_2, %add3A_3 : i32
    %dma_start3A = tpu.memref_slice %arg3[%add3A_4] : memref<320000xi32, #tpu.memory_space<hbm>> -> memref<128xi32, #tpu.memory_space<hbm>>
    %dma_start3A_5 = tpu.memref_slice %arg3[%add3A_4] : memref<320000xi32, #tpu.memory_space<hbm>> -> memref<128xi32, #tpu.memory_space<hbm>>
    tpu.enqueue_dma source(%dma_start3A_5 : memref<128xi32, #tpu.memory_space<hbm>>) target(%arg7 : memref<128xi32, #tpu.memory_space<vmem>>) target_semaphore(%arg18 : memref<!tpu.dma_semaphore, #tpu.memory_space<semaphore_mem>>)
    %add3A_6 = arith.constant 0 : i32
    %add3A_7 = arith.addi %mul3A_2, %add3A_6 : i32
    %dma_start3A_8 = tpu.memref_slice %arg4[%add3A_7] : memref<320000xi32, #tpu.memory_space<hbm>> -> memref<128xi32, #tpu.memory_space<hbm>>
    %dma_start3A_9 = tpu.memref_slice %arg4[%add3A_7] : memref<320000xi32, #tpu.memory_space<hbm>> -> memref<128xi32, #tpu.memory_space<hbm>>
    tpu.enqueue_dma source(%dma_start3A_9 : memref<128xi32, #tpu.memory_space<hbm>>) target(%arg9 : memref<128xi32, #tpu.memory_space<vmem>>) target_semaphore(%arg20 : memref<!tpu.dma_semaphore, #tpu.memory_space<semaphore_mem>>)
    %add3A_10 = arith.constant 128 : i32
    %add3A_11 = arith.addi %mul3A_2, %add3A_10 : i32
    %dma_start3A_12 = tpu.memref_slice %arg3[%add3A_11] : memref<320000xi32, #tpu.memory_space<hbm>> -> memref<128xi32, #tpu.memory_space<hbm>>
    %dma_start3A_13 = tpu.memref_slice %arg3[%add3A_11] : memref<320000xi32, #tpu.memory_space<hbm>> -> memref<128xi32, #tpu.memory_space<hbm>>
    tpu.enqueue_dma source(%dma_start3A_13 : memref<128xi32, #tpu.memory_space<hbm>>) target(%arg8 : memref<128xi32, #tpu.memory_space<vmem>>) target_semaphore(%arg19 : memref<!tpu.dma_semaphore, #tpu.memory_space<semaphore_mem>>)
    %add3A_14 = arith.constant 128 : i32
    %add3A_15 = arith.addi %mul3A_2, %add3A_14 : i32
    %dma_start3A_16 = tpu.memref_slice %arg4[%add3A_15] : memref<320000xi32, #tpu.memory_space<hbm>> -> memref<128xi32, #tpu.memory_space<hbm>>
    %dma_start3A_17 = tpu.memref_slice %arg4[%add3A_15] : memref<320000xi32, #tpu.memory_space<hbm>> -> memref<128xi32, #tpu.memory_space<hbm>>
    tpu.enqueue_dma source(%dma_start3A_17 : memref<128xi32, #tpu.memory_space<hbm>>) target(%arg10 : memref<128xi32, #tpu.memory_space<vmem>>) target_semaphore(%arg21 : memref<!tpu.dma_semaphore, #tpu.memory_space<semaphore_mem>>)
    %eq3A = arith.constant 0 : i32
    %eq3A_18 = arith.cmpi eq, %arg0, %eq3A : i32
    %convert_element_type3A = arith.extui %eq3A_18 : i1 to i32
    %cond3A = arith.constant 0 : i32
    %cond3A_19 = arith.cmpi ne, %convert_element_type3A, %cond3A : i32
    scf.if %cond3A_19 {
      %lt3A_72 = arith.constant 15 : i32
      %lt3A_73 = arith.cmpi slt, %arg1, %lt3A_72 : i32
      %convert_element_type3A_74 = arith.extui %lt3A_73 : i1 to i32
      %cond3A_75 = arith.constant 0 : i32
      %cond3A_76 = arith.cmpi ne, %convert_element_type3A_74, %cond3A_75 : i32
      scf.if %cond3A_76 {
        %mul3A_82 = arith.constant 624 : i32
        %mul3A_83 = arith.muli %arg1, %mul3A_82 : i32
        "tpu.region"() ({
          %run_scoped3A = tpu.sem_alloc : memref<!tpu.dma_semaphore, #tpu.memory_space<semaphore_mem>>
          %dma_start3A_84 = arith.constant 0 : i32
          %dma_start3A_85 = tpu.memref_slice %arg15[%mul3A_83, %dma_start3A_84] : memref<10000x128xf32, #tpu.memory_space<vmem_shared>> -> memref<624x128xf32, #tpu.memory_space<vmem_shared>>
          %dma_start3A_86 = arith.constant 0 : i32
          %dma_start3A_87 = tpu.memref_slice %arg2[%mul3A_83, %dma_start3A_86] : memref<10000x128xf32, #tpu.memory_space<hbm>> -> memref<624x128xf32, #tpu.memory_space<hbm>>
          tpu.enqueue_dma source(%dma_start3A_87 : memref<624x128xf32, #tpu.memory_space<hbm>>) target(%dma_start3A_85 : memref<624x128xf32, #tpu.memory_space<vmem_shared>>) target_semaphore(%run_scoped3A : memref<!tpu.dma_semaphore, #tpu.memory_space<semaphore_mem>>)
          %dma_wait3A_88 = arith.constant 0 : i32
          %dma_wait3A_89 = tpu.memref_slice %arg15[%mul3A_83, %dma_wait3A_88] : memref<10000x128xf32, #tpu.memory_space<vmem_shared>> -> memref<624x128xf32, #tpu.memory_space<vmem_shared>>
          %dma_wait3A_90 = arith.constant 0 : i32
          %dma_wait3A_91 = tpu.memref_slice %arg2[%mul3A_83, %dma_wait3A_90] : memref<10000x128xf32, #tpu.memory_space<hbm>> -> memref<624x128xf32, #tpu.memory_space<hbm>>
          tpu.wait_dma2 semaphore(%run_scoped3A : memref<!tpu.dma_semaphore, #tpu.memory_space<semaphore_mem>>) src(%dma_wait3A_91 : memref<624x128xf32, #tpu.memory_space<hbm>>) dst(%dma_wait3A_89 : memref<624x128xf32, #tpu.memory_space<vmem_shared>>)
          tpu.yield
        }) : () -> ()
      } else {
      }
      %eq3A_77 = arith.constant 15 : i32
      %eq3A_78 = arith.cmpi eq, %arg1, %eq3A_77 : i32
      %convert_element_type3A_79 = arith.extui %eq3A_78 : i1 to i32
      %cond3A_80 = arith.constant 0 : i32
      %cond3A_81 = arith.cmpi ne, %convert_element_type3A_79, %cond3A_80 : i32
      scf.if %cond3A_81 {
        "tpu.region"() ({
          %run_scoped3A = tpu.sem_alloc : memref<!tpu.dma_semaphore, #tpu.memory_space<semaphore_mem>>
          %dma_start3A_82 = arith.constant 9360 : i32
          %dma_start3A_83 = arith.constant 0 : i32
          %dma_start3A_84 = tpu.memref_slice %arg15[%dma_start3A_82, %dma_start3A_83] : memref<10000x128xf32, #tpu.memory_space<vmem_shared>> -> memref<640x128xf32, #tpu.memory_space<vmem_shared>>
          %dma_start3A_85 = arith.constant 9360 : i32
          %dma_start3A_86 = arith.constant 0 : i32
          %dma_start3A_87 = tpu.memref_slice %arg2[%dma_start3A_85, %dma_start3A_86] : memref<10000x128xf32, #tpu.memory_space<hbm>> -> memref<640x128xf32, #tpu.memory_space<hbm>>
          tpu.enqueue_dma source(%dma_start3A_87 : memref<640x128xf32, #tpu.memory_space<hbm>>) target(%dma_start3A_84 : memref<640x128xf32, #tpu.memory_space<vmem_shared>>) target_semaphore(%run_scoped3A : memref<!tpu.dma_semaphore, #tpu.memory_space<semaphore_mem>>)
          %dma_wait3A_88 = arith.constant 9360 : i32
          %dma_wait3A_89 = arith.constant 0 : i32
          %dma_wait3A_90 = tpu.memref_slice %arg15[%dma_wait3A_88, %dma_wait3A_89] : memref<10000x128xf32, #tpu.memory_space<vmem_shared>> -> memref<640x128xf32, #tpu.memory_space<vmem_shared>>
          %dma_wait3A_91 = arith.constant 9360 : i32
          %dma_wait3A_92 = arith.constant 0 : i32
          %dma_wait3A_93 = tpu.memref_slice %arg2[%dma_wait3A_91, %dma_wait3A_92] : memref<10000x128xf32, #tpu.memory_space<hbm>> -> memref<640x128xf32, #tpu.memory_space<hbm>>
          tpu.wait_dma2 semaphore(%run_scoped3A : memref<!tpu.dma_semaphore, #tpu.memory_space<semaphore_mem>>) src(%dma_wait3A_93 : memref<640x128xf32, #tpu.memory_space<hbm>>) dst(%dma_wait3A_90 : memref<640x128xf32, #tpu.memory_space<vmem_shared>>)
          tpu.yield
        }) : () -> ()
      } else {
      }
    } else {
    }
    %ne3A = arith.constant 0 : i32
    %ne3A_20 = arith.cmpi ne, %arg0, %ne3A : i32
    %convert_element_type3A_21 = arith.extui %ne3A_20 : i1 to i32
    %cond3A_22 = arith.constant 0 : i32
    %cond3A_23 = arith.cmpi ne, %convert_element_type3A_21, %cond3A_22 : i32
    scf.if %cond3A_23 {
      %lt3A_72 = arith.constant 15 : i32
      %lt3A_73 = arith.cmpi slt, %arg1, %lt3A_72 : i32
      %convert_element_type3A_74 = arith.extui %lt3A_73 : i1 to i32
      %cond3A_75 = arith.constant 0 : i32
      %cond3A_76 = arith.cmpi ne, %convert_element_type3A_74, %cond3A_75 : i32
      scf.if %cond3A_76 {
        %mul3A_82 = arith.constant 624 : i32
        %mul3A_83 = arith.muli %arg1, %mul3A_82 : i32
        "tpu.region"() ({
          %run_scoped3A = tpu.sem_alloc : memref<!tpu.dma_semaphore, #tpu.memory_space<semaphore_mem>>
          %dma_start3A_84 = arith.constant 0 : i32
          %dma_start3A_85 = tpu.memref_slice %arg15[%mul3A_83, %dma_start3A_84] : memref<10000x128xf32, #tpu.memory_space<vmem_shared>> -> memref<624x128xf32, #tpu.memory_space<vmem_shared>>
          %dma_start3A_86 = arith.constant 0 : i32
          %dma_start3A_87 = arith.constant 0 : i32
          %dma_start3A_88 = tpu.memref_slice %arg5[%dma_start3A_86, %dma_start3A_87] : memref<640x128xf32, #tpu.memory_space<hbm>> -> memref<624x128xf32, #tpu.memory_space<hbm>>
          tpu.enqueue_dma source(%dma_start3A_88 : memref<624x128xf32, #tpu.memory_space<hbm>>) target(%dma_start3A_85 : memref<624x128xf32, #tpu.memory_space<vmem_shared>>) target_semaphore(%run_scoped3A : memref<!tpu.dma_semaphore, #tpu.memory_space<semaphore_mem>>)
          %dma_wait3A_89 = arith.constant 0 : i32
          %dma_wait3A_90 = tpu.memref_slice %arg15[%mul3A_83, %dma_wait3A_89] : memref<10000x128xf32, #tpu.memory_space<vmem_shared>> -> memref<624x128xf32, #tpu.memory_space<vmem_shared>>
          %dma_wait3A_91 = arith.constant 0 : i32
          %dma_wait3A_92 = arith.constant 0 : i32
          %dma_wait3A_93 = tpu.memref_slice %arg5[%dma_wait3A_91, %dma_wait3A_92] : memref<640x128xf32, #tpu.memory_space<hbm>> -> memref<624x128xf32, #tpu.memory_space<hbm>>
          tpu.wait_dma2 semaphore(%run_scoped3A : memref<!tpu.dma_semaphore, #tpu.memory_space<semaphore_mem>>) src(%dma_wait3A_93 : memref<624x128xf32, #tpu.memory_space<hbm>>) dst(%dma_wait3A_90 : memref<624x128xf32, #tpu.memory_space<vmem_shared>>)
          tpu.yield
        }) : () -> ()
      } else {
      }
      %eq3A_77 = arith.constant 15 : i32
      %eq3A_78 = arith.cmpi eq, %arg1, %eq3A_77 : i32
      %convert_element_type3A_79 = arith.extui %eq3A_78 : i1 to i32
      %cond3A_80 = arith.constant 0 : i32
      %cond3A_81 = arith.cmpi ne, %convert_element_type3A_79, %cond3A_80 : i32
      scf.if %cond3A_81 {
        "tpu.region"() ({
          %run_scoped3A = tpu.sem_alloc : memref<!tpu.dma_semaphore, #tpu.memory_space<semaphore_mem>>
          %dma_start3A_82 = arith.constant 9360 : i32
          %dma_start3A_83 = arith.constant 0 : i32
          %dma_start3A_84 = tpu.memref_slice %arg15[%dma_start3A_82, %dma_start3A_83] : memref<10000x128xf32, #tpu.memory_space<vmem_shared>> -> memref<640x128xf32, #tpu.memory_space<vmem_shared>>
          %dma_start3A_85 = arith.constant 0 : i32
          %dma_start3A_86 = arith.constant 0 : i32
          %dma_start3A_87 = tpu.memref_slice %arg5[%dma_start3A_85, %dma_start3A_86] : memref<640x128xf32, #tpu.memory_space<hbm>> -> memref<640x128xf32, #tpu.memory_space<hbm>>
          tpu.enqueue_dma source(%dma_start3A_87 : memref<640x128xf32, #tpu.memory_space<hbm>>) target(%dma_start3A_84 : memref<640x128xf32, #tpu.memory_space<vmem_shared>>) target_semaphore(%run_scoped3A : memref<!tpu.dma_semaphore, #tpu.memory_space<semaphore_mem>>)
          %dma_wait3A_88 = arith.constant 9360 : i32
          %dma_wait3A_89 = arith.constant 0 : i32
          %dma_wait3A_90 = tpu.memref_slice %arg15[%dma_wait3A_88, %dma_wait3A_89] : memref<10000x128xf32, #tpu.memory_space<vmem_shared>> -> memref<640x128xf32, #tpu.memory_space<vmem_shared>>
          %dma_wait3A_91 = arith.constant 0 : i32
          %dma_wait3A_92 = arith.constant 0 : i32
          %dma_wait3A_93 = tpu.memref_slice %arg5[%dma_wait3A_91, %dma_wait3A_92] : memref<640x128xf32, #tpu.memory_space<hbm>> -> memref<640x128xf32, #tpu.memory_space<hbm>>
          tpu.wait_dma2 semaphore(%run_scoped3A : memref<!tpu.dma_semaphore, #tpu.memory_space<semaphore_mem>>) src(%dma_wait3A_93 : memref<640x128xf32, #tpu.memory_space<hbm>>) dst(%dma_wait3A_90 : memref<640x128xf32, #tpu.memory_space<vmem_shared>>)
          tpu.yield
        }) : () -> ()
      } else {
      }
    } else {
    }
    %add3A_24 = arith.constant 0 : i32
    %add3A_25 = arith.addi %mul3A_2, %add3A_24 : i32
    %dma_wait3A = tpu.memref_slice %arg3[%add3A_25] : memref<320000xi32, #tpu.memory_space<hbm>> -> memref<128xi32, #tpu.memory_space<hbm>>
    %dma_wait3A_26 = tpu.memref_slice %arg3[%add3A_25] : memref<320000xi32, #tpu.memory_space<hbm>> -> memref<128xi32, #tpu.memory_space<hbm>>
    tpu.wait_dma2 semaphore(%arg18 : memref<!tpu.dma_semaphore, #tpu.memory_space<semaphore_mem>>) src(%dma_wait3A_26 : memref<128xi32, #tpu.memory_space<hbm>>) dst(%arg7 : memref<128xi32, #tpu.memory_space<vmem>>)
    %add3A_27 = arith.constant 0 : i32
    %add3A_28 = arith.addi %mul3A_2, %add3A_27 : i32
    %dma_wait3A_29 = tpu.memref_slice %arg4[%add3A_28] : memref<320000xi32, #tpu.memory_space<hbm>> -> memref<128xi32, #tpu.memory_space<hbm>>
    %dma_wait3A_30 = tpu.memref_slice %arg4[%add3A_28] : memref<320000xi32, #tpu.memory_space<hbm>> -> memref<128xi32, #tpu.memory_space<hbm>>
    tpu.wait_dma2 semaphore(%arg20 : memref<!tpu.dma_semaphore, #tpu.memory_space<semaphore_mem>>) src(%dma_wait3A_30 : memref<128xi32, #tpu.memory_space<hbm>>) dst(%arg9 : memref<128xi32, #tpu.memory_space<vmem>>)
    %add3A_31 = arith.constant 128 : i32
    %add3A_32 = arith.addi %mul3A_2, %add3A_31 : i32
    %dma_wait3A_33 = tpu.memref_slice %arg3[%add3A_32] : memref<320000xi32, #tpu.memory_space<hbm>> -> memref<128xi32, #tpu.memory_space<hbm>>
    %dma_wait3A_34 = tpu.memref_slice %arg3[%add3A_32] : memref<320000xi32, #tpu.memory_space<hbm>> -> memref<128xi32, #tpu.memory_space<hbm>>
    tpu.wait_dma2 semaphore(%arg19 : memref<!tpu.dma_semaphore, #tpu.memory_space<semaphore_mem>>) src(%dma_wait3A_34 : memref<128xi32, #tpu.memory_space<hbm>>) dst(%arg8 : memref<128xi32, #tpu.memory_space<vmem>>)
    %add3A_35 = arith.constant 128 : i32
    %add3A_36 = arith.addi %mul3A_2, %add3A_35 : i32
    %dma_wait3A_37 = tpu.memref_slice %arg4[%add3A_36] : memref<320000xi32, #tpu.memory_space<hbm>> -> memref<128xi32, #tpu.memory_space<hbm>>
    %dma_wait3A_38 = tpu.memref_slice %arg4[%add3A_36] : memref<320000xi32, #tpu.memory_space<hbm>> -> memref<128xi32, #tpu.memory_space<hbm>>
    tpu.wait_dma2 semaphore(%arg21 : memref<!tpu.dma_semaphore, #tpu.memory_space<semaphore_mem>>) src(%dma_wait3A_38 : memref<128xi32, #tpu.memory_space<hbm>>) dst(%arg10 : memref<128xi32, #tpu.memory_space<vmem>>)
    %barrier3A = arith.constant 0 : index
    tpu.barrier barrier_id(%barrier3A)
    %dma_start3A_39 = arith.constant 0 : i32
    %dma_start3A_40 = arith.constant 0 : i32
    %dma_start3A_41 = tpu.memref_slice %arg2[%dma_start3A_39, %dma_start3A_40] : memref<10000x128xf32, #tpu.memory_space<hbm>> -> memref<10000x128xf32, #tpu.memory_space<hbm>>
    tpu.enqueue_indirect_dma source(%dma_start3A_41 : memref<10000x128xf32, #tpu.memory_space<hbm>>) target(%arg13 : memref<128x128xf32, #tpu.memory_space<vmem>>) offsets(%arg7 : memref<128xi32, #tpu.memory_space<vmem>>) semaphore(%arg16 : memref<!tpu.dma_semaphore, #tpu.memory_space<semaphore_mem>>)
    %scan3A = arith.constant 0 : i32
    %scan3A_42 = arith.constant 39 : i32
    %scan3A_43 = arith.addi %scan3A, %scan3A_42 : i32
    %scan3A_44 = arith.constant 1 : i32
    scf.for %scan3A_72 = %scan3A to %scan3A_43 step %scan3A_44  : i32 {
      %mul3A_73 = arith.constant 1 : i32
      %mul3A_74 = arith.muli %scan3A_72, %mul3A_73 : i32
      %add3A_75 = arith.constant 0 : i32
      %add3A_76 = arith.addi %add3A_75, %mul3A_74 : i32
      %mul3A_77 = arith.constant 2 : i32
      %mul3A_78 = arith.muli %mul3A_77, %add3A_76 : i32
      %mul3A_79 = arith.constant 2 : i32
      %mul3A_80 = arith.muli %mul3A_79, %add3A_76 : i32
      %add3A_81 = arith.constant 1 : i32
      %add3A_82 = arith.addi %mul3A_80, %add3A_81 : i32
      %gt3A = arith.constant 0 : i32
      %gt3A_83 = arith.cmpi sgt, %add3A_76, %gt3A : i32
      %convert_element_type3A_84 = arith.extui %gt3A_83 : i1 to i32
      %cond3A_85 = arith.constant 0 : i32
      %cond3A_86 = arith.cmpi ne, %convert_element_type3A_84, %cond3A_85 : i32
      scf.if %cond3A_86 {
        %mul3A_121 = arith.constant 128 : i32
        %mul3A_122 = arith.muli %add3A_82, %mul3A_121 : i32
        %add3A_123 = arith.addi %mul3A_2, %mul3A_122 : i32
        %dma_wait3A_124 = tpu.memref_slice %arg3[%add3A_123] : memref<320000xi32, #tpu.memory_space<hbm>> -> memref<128xi32, #tpu.memory_space<hbm>>
        %dma_wait3A_125 = tpu.memref_slice %arg3[%add3A_123] : memref<320000xi32, #tpu.memory_space<hbm>> -> memref<128xi32, #tpu.memory_space<hbm>>
        tpu.wait_dma2 semaphore(%arg19 : memref<!tpu.dma_semaphore, #tpu.memory_space<semaphore_mem>>) src(%dma_wait3A_125 : memref<128xi32, #tpu.memory_space<hbm>>) dst(%arg8 : memref<128xi32, #tpu.memory_space<vmem>>)
      } else {
      }
      %dma_start3A_87 = arith.constant 0 : i32
      %dma_start3A_88 = arith.constant 0 : i32
      %dma_start3A_89 = tpu.memref_slice %arg2[%dma_start3A_87, %dma_start3A_88] : memref<10000x128xf32, #tpu.memory_space<hbm>> -> memref<10000x128xf32, #tpu.memory_space<hbm>>
      tpu.enqueue_indirect_dma source(%dma_start3A_89 : memref<10000x128xf32, #tpu.memory_space<hbm>>) target(%arg14 : memref<128x128xf32, #tpu.memory_space<vmem>>) offsets(%arg8 : memref<128xi32, #tpu.memory_space<vmem>>) semaphore(%arg17 : memref<!tpu.dma_semaphore, #tpu.memory_space<semaphore_mem>>)
      %dma_wait3A_90 = arith.constant 0 : i32
      %dma_wait3A_91 = arith.constant 0 : i32
      %dma_wait3A_92 = tpu.memref_slice %arg2[%dma_wait3A_90, %dma_wait3A_91] : memref<10000x128xf32, #tpu.memory_space<hbm>> -> memref<10000x128xf32, #tpu.memory_space<hbm>>
      tpu.wait_indirect_dma semaphore(%arg16 : memref<!tpu.dma_semaphore, #tpu.memory_space<semaphore_mem>>) src(%dma_wait3A_92 : memref<10000x128xf32, #tpu.memory_space<hbm>>) dst(%arg13 : memref<128x128xf32, #tpu.memory_space<vmem>>)
      %lt3A_93 = arith.constant 38 : i32
      %lt3A_94 = arith.cmpi slt, %add3A_76, %lt3A_93 : i32
      %convert_element_type3A_95 = arith.extui %lt3A_94 : i1 to i32
      %cond3A_96 = arith.constant 0 : i32
      %cond3A_97 = arith.cmpi ne, %convert_element_type3A_95, %cond3A_96 : i32
      scf.if %cond3A_97 {
        %add3A_121 = arith.constant 2 : i32
        %add3A_122 = arith.addi %mul3A_78, %add3A_121 : i32
        %mul3A_123 = arith.constant 128 : i32
        %mul3A_124 = arith.muli %add3A_122, %mul3A_123 : i32
        %add3A_125 = arith.addi %mul3A_2, %mul3A_124 : i32
        %dma_start3A_126 = tpu.memref_slice %arg3[%add3A_125] : memref<320000xi32, #tpu.memory_space<hbm>> -> memref<128xi32, #tpu.memory_space<hbm>>
        %dma_start3A_127 = tpu.memref_slice %arg3[%add3A_125] : memref<320000xi32, #tpu.memory_space<hbm>> -> memref<128xi32, #tpu.memory_space<hbm>>
        tpu.enqueue_dma source(%dma_start3A_127 : memref<128xi32, #tpu.memory_space<hbm>>) target(%arg7 : memref<128xi32, #tpu.memory_space<vmem>>) target_semaphore(%arg18 : memref<!tpu.dma_semaphore, #tpu.memory_space<semaphore_mem>>)
      } else {
      }
      %gt3A_98 = arith.constant 0 : i32
      %gt3A_99 = arith.cmpi sgt, %add3A_76, %gt3A_98 : i32
      %convert_element_type3A_100 = arith.extui %gt3A_99 : i1 to i32
      %cond3A_101 = arith.constant 0 : i32
      %cond3A_102 = arith.cmpi ne, %convert_element_type3A_100, %cond3A_101 : i32
      scf.if %cond3A_102 {
        %mul3A_121 = arith.constant 128 : i32
        %mul3A_122 = arith.muli %mul3A_78, %mul3A_121 : i32
        %add3A_123 = arith.addi %mul3A_2, %mul3A_122 : i32
        %dma_wait3A_124 = tpu.memref_slice %arg4[%add3A_123] : memref<320000xi32, #tpu.memory_space<hbm>> -> memref<128xi32, #tpu.memory_space<hbm>>
        %dma_wait3A_125 = tpu.memref_slice %arg4[%add3A_123] : memref<320000xi32, #tpu.memory_space<hbm>> -> memref<128xi32, #tpu.memory_space<hbm>>
        tpu.wait_dma2 semaphore(%arg20 : memref<!tpu.dma_semaphore, #tpu.memory_space<semaphore_mem>>) src(%dma_wait3A_125 : memref<128xi32, #tpu.memory_space<hbm>>) dst(%arg9 : memref<128xi32, #tpu.memory_space<vmem>>)
      } else {
      }
      "tpu.region"() ({
        %run_scoped3A = tpu.sem_alloc : memref<!tpu.dma_semaphore, #tpu.memory_space<semaphore_mem>>
        %dma_start3A_121 = arith.constant 0 : i32
        %dma_start3A_122 = arith.constant 0 : i32
        %dma_start3A_123 = tpu.memref_slice %arg15[%dma_start3A_121, %dma_start3A_122] : memref<10000x128xf32, #tpu.memory_space<vmem_shared>> -> memref<10000x128xf32, #tpu.memory_space<vmem_shared>>
        tpu.enqueue_indirect_dma source(%arg13 : memref<128x128xf32, #tpu.memory_space<vmem>>) target(%dma_start3A_123 : memref<10000x128xf32, #tpu.memory_space<vmem_shared>>) offsets(%arg9 : memref<128xi32, #tpu.memory_space<vmem>>) semaphore(%run_scoped3A : memref<!tpu.dma_semaphore, #tpu.memory_space<semaphore_mem>>) {add = true}
        %dma_wait3A_124 = arith.constant 0 : i32
        %dma_wait3A_125 = arith.constant 0 : i32
        %dma_wait3A_126 = tpu.memref_slice %arg15[%dma_wait3A_124, %dma_wait3A_125] : memref<10000x128xf32, #tpu.memory_space<vmem_shared>> -> memref<10000x128xf32, #tpu.memory_space<vmem_shared>>
        tpu.wait_indirect_dma semaphore(%run_scoped3A : memref<!tpu.dma_semaphore, #tpu.memory_space<semaphore_mem>>) src(%arg13 : memref<128x128xf32, #tpu.memory_space<vmem>>) dst(%dma_wait3A_126 : memref<10000x128xf32, #tpu.memory_space<vmem_shared>>)
        tpu.yield
      }) : () -> ()
      %lt3A_103 = arith.constant 38 : i32
      %lt3A_104 = arith.cmpi slt, %add3A_76, %lt3A_103 : i32
      %convert_element_type3A_105 = arith.extui %lt3A_104 : i1 to i32
      %cond3A_106 = arith.constant 0 : i32
      %cond3A_107 = arith.cmpi ne, %convert_element_type3A_105, %cond3A_106 : i32
      scf.if %cond3A_107 {
        %add3A_121 = arith.constant 2 : i32
        %add3A_122 = arith.addi %mul3A_78, %add3A_121 : i32
        %mul3A_123 = arith.constant 128 : i32
        %mul3A_124 = arith.muli %add3A_122, %mul3A_123 : i32
        %add3A_125 = arith.addi %mul3A_2, %mul3A_124 : i32
        %dma_start3A_126 = tpu.memref_slice %arg4[%add3A_125] : memref<320000xi32, #tpu.memory_space<hbm>> -> memref<128xi32, #tpu.memory_space<hbm>>
        %dma_start3A_127 = tpu.memref_slice %arg4[%add3A_125] : memref<320000xi32, #tpu.memory_space<hbm>> -> memref<128xi32, #tpu.memory_space<hbm>>
        tpu.enqueue_dma source(%dma_start3A_127 : memref<128xi32, #tpu.memory_space<hbm>>) target(%arg9 : memref<128xi32, #tpu.memory_space<vmem>>) target_semaphore(%arg20 : memref<!tpu.dma_semaphore, #tpu.memory_space<semaphore_mem>>)
        %add3A_128 = arith.constant 2 : i32
        %add3A_129 = arith.addi %mul3A_78, %add3A_128 : i32
        %mul3A_130 = arith.constant 128 : i32
        %mul3A_131 = arith.muli %add3A_129, %mul3A_130 : i32
        %add3A_132 = arith.addi %mul3A_2, %mul3A_131 : i32
        %dma_wait3A_133 = tpu.memref_slice %arg3[%add3A_132] : memref<320000xi32, #tpu.memory_space<hbm>> -> memref<128xi32, #tpu.memory_space<hbm>>
        %dma_wait3A_134 = tpu.memref_slice %arg3[%add3A_132] : memref<320000xi32, #tpu.memory_space<hbm>> -> memref<128xi32, #tpu.memory_space<hbm>>
        tpu.wait_dma2 semaphore(%arg18 : memref<!tpu.dma_semaphore, #tpu.memory_space<semaphore_mem>>) src(%dma_wait3A_134 : memref<128xi32, #tpu.memory_space<hbm>>) dst(%arg7 : memref<128xi32, #tpu.memory_space<vmem>>)
        %dma_start3A_135 = arith.constant 0 : i32
        %dma_start3A_136 = arith.constant 0 : i32
        %dma_start3A_137 = tpu.memref_slice %arg2[%dma_start3A_135, %dma_start3A_136] : memref<10000x128xf32, #tpu.memory_space<hbm>> -> memref<10000x128xf32, #tpu.memory_space<hbm>>
        tpu.enqueue_indirect_dma source(%dma_start3A_137 : memref<10000x128xf32, #tpu.memory_space<hbm>>) target(%arg13 : memref<128x128xf32, #tpu.memory_space<vmem>>) offsets(%arg7 : memref<128xi32, #tpu.memory_space<vmem>>) semaphore(%arg16 : memref<!tpu.dma_semaphore, #tpu.memory_space<semaphore_mem>>)
      } else {
      }
      %dma_wait3A_108 = arith.constant 0 : i32
      %dma_wait3A_109 = arith.constant 0 : i32
      %dma_wait3A_110 = tpu.memref_slice %arg2[%dma_wait3A_108, %dma_wait3A_109] : memref<10000x128xf32, #tpu.memory_space<hbm>> -> memref<10000x128xf32, #tpu.memory_space<hbm>>
      tpu.wait_indirect_dma semaphore(%arg17 : memref<!tpu.dma_semaphore, #tpu.memory_space<semaphore_mem>>) src(%dma_wait3A_110 : memref<10000x128xf32, #tpu.memory_space<hbm>>) dst(%arg14 : memref<128x128xf32, #tpu.memory_space<vmem>>)
      %gt3A_111 = arith.constant 0 : i32
      %gt3A_112 = arith.cmpi sgt, %add3A_76, %gt3A_111 : i32
      %convert_element_type3A_113 = arith.extui %gt3A_112 : i1 to i32
      %cond3A_114 = arith.constant 0 : i32
      %cond3A_115 = arith.cmpi ne, %convert_element_type3A_113, %cond3A_114 : i32
      scf.if %cond3A_115 {
        %mul3A_121 = arith.constant 128 : i32
        %mul3A_122 = arith.muli %add3A_82, %mul3A_121 : i32
        %add3A_123 = arith.addi %mul3A_2, %mul3A_122 : i32
        %dma_wait3A_124 = tpu.memref_slice %arg4[%add3A_123] : memref<320000xi32, #tpu.memory_space<hbm>> -> memref<128xi32, #tpu.memory_space<hbm>>
        %dma_wait3A_125 = tpu.memref_slice %arg4[%add3A_123] : memref<320000xi32, #tpu.memory_space<hbm>> -> memref<128xi32, #tpu.memory_space<hbm>>
        tpu.wait_dma2 semaphore(%arg21 : memref<!tpu.dma_semaphore, #tpu.memory_space<semaphore_mem>>) src(%dma_wait3A_125 : memref<128xi32, #tpu.memory_space<hbm>>) dst(%arg10 : memref<128xi32, #tpu.memory_space<vmem>>)
      } else {
      }
      "tpu.region"() ({
        %run_scoped3A = tpu.sem_alloc : memref<!tpu.dma_semaphore, #tpu.memory_space<semaphore_mem>>
        %dma_start3A_121 = arith.constant 0 : i32
        %dma_start3A_122 = arith.constant 0 : i32
        %dma_start3A_123 = tpu.memref_slice %arg15[%dma_start3A_121, %dma_start3A_122] : memref<10000x128xf32, #tpu.memory_space<vmem_shared>> -> memref<10000x128xf32, #tpu.memory_space<vmem_shared>>
        tpu.enqueue_indirect_dma source(%arg14 : memref<128x128xf32, #tpu.memory_space<vmem>>) target(%dma_start3A_123 : memref<10000x128xf32, #tpu.memory_space<vmem_shared>>) offsets(%arg10 : memref<128xi32, #tpu.memory_space<vmem>>) semaphore(%run_scoped3A : memref<!tpu.dma_semaphore, #tpu.memory_space<semaphore_mem>>) {add = true}
        %dma_wait3A_124 = arith.constant 0 : i32
        %dma_wait3A_125 = arith.constant 0 : i32
        %dma_wait3A_126 = tpu.memref_slice %arg15[%dma_wait3A_124, %dma_wait3A_125] : memref<10000x128xf32, #tpu.memory_space<vmem_shared>> -> memref<10000x128xf32, #tpu.memory_space<vmem_shared>>
        tpu.wait_indirect_dma semaphore(%run_scoped3A : memref<!tpu.dma_semaphore, #tpu.memory_space<semaphore_mem>>) src(%arg14 : memref<128x128xf32, #tpu.memory_space<vmem>>) dst(%dma_wait3A_126 : memref<10000x128xf32, #tpu.memory_space<vmem_shared>>)
        tpu.yield
      }) : () -> ()
      %lt3A_116 = arith.constant 38 : i32
      %lt3A_117 = arith.cmpi slt, %add3A_76, %lt3A_116 : i32
      %convert_element_type3A_118 = arith.extui %lt3A_117 : i1 to i32
      %cond3A_119 = arith.constant 0 : i32
      %cond3A_120 = arith.cmpi ne, %convert_element_type3A_118, %cond3A_119 : i32
      scf.if %cond3A_120 {
        %add3A_121 = arith.constant 2 : i32
        %add3A_122 = arith.addi %add3A_82, %add3A_121 : i32
        %mul3A_123 = arith.constant 128 : i32
        %mul3A_124 = arith.muli %add3A_122, %mul3A_123 : i32
        %add3A_125 = arith.addi %mul3A_2, %mul3A_124 : i32
        %dma_start3A_126 = tpu.memref_slice %arg3[%add3A_125] : memref<320000xi32, #tpu.memory_space<hbm>> -> memref<128xi32, #tpu.memory_space<hbm>>
        %dma_start3A_127 = tpu.memref_slice %arg3[%add3A_125] : memref<320000xi32, #tpu.memory_space<hbm>> -> memref<128xi32, #tpu.memory_space<hbm>>
        tpu.enqueue_dma source(%dma_start3A_127 : memref<128xi32, #tpu.memory_space<hbm>>) target(%arg8 : memref<128xi32, #tpu.memory_space<vmem>>) target_semaphore(%arg19 : memref<!tpu.dma_semaphore, #tpu.memory_space<semaphore_mem>>)
        %add3A_128 = arith.constant 2 : i32
        %add3A_129 = arith.addi %add3A_82, %add3A_128 : i32
        %mul3A_130 = arith.constant 128 : i32
        %mul3A_131 = arith.muli %add3A_129, %mul3A_130 : i32
        %add3A_132 = arith.addi %mul3A_2, %mul3A_131 : i32
        %dma_start3A_133 = tpu.memref_slice %arg4[%add3A_132] : memref<320000xi32, #tpu.memory_space<hbm>> -> memref<128xi32, #tpu.memory_space<hbm>>
        %dma_start3A_134 = tpu.memref_slice %arg4[%add3A_132] : memref<320000xi32, #tpu.memory_space<hbm>> -> memref<128xi32, #tpu.memory_space<hbm>>
        tpu.enqueue_dma source(%dma_start3A_134 : memref<128xi32, #tpu.memory_space<hbm>>) target(%arg10 : memref<128xi32, #tpu.memory_space<vmem>>) target_semaphore(%arg21 : memref<!tpu.dma_semaphore, #tpu.memory_space<semaphore_mem>>)
      } else {
      }
    }
    %scan3A_45 = arith.constant 39 : i32
    %add3A_46 = arith.constant 9984 : i32
    %add3A_47 = arith.addi %mul3A_2, %add3A_46 : i32
    "tpu.region"() ({
      %run_scoped3A = tpu.sem_alloc : memref<!tpu.dma_semaphore, #tpu.memory_space<semaphore_mem>>
      %dma_start3A_72 = tpu.memref_slice %arg3[%add3A_47] : memref<320000xi32, #tpu.memory_space<hbm>> -> memref<16xi32, #tpu.memory_space<hbm>>
      %dma_start3A_73 = tpu.memref_slice %arg3[%add3A_47] : memref<320000xi32, #tpu.memory_space<hbm>> -> memref<16xi32, #tpu.memory_space<hbm>>
      tpu.enqueue_dma source(%dma_start3A_73 : memref<16xi32, #tpu.memory_space<hbm>>) target(%arg11 : memref<16xi32, #tpu.memory_space<vmem>>) target_semaphore(%run_scoped3A : memref<!tpu.dma_semaphore, #tpu.memory_space<semaphore_mem>>)
      %dma_wait3A_74 = tpu.memref_slice %arg3[%add3A_47] : memref<320000xi32, #tpu.memory_space<hbm>> -> memref<16xi32, #tpu.memory_space<hbm>>
      %dma_wait3A_75 = tpu.memref_slice %arg3[%add3A_47] : memref<320000xi32, #tpu.memory_space<hbm>> -> memref<16xi32, #tpu.memory_space<hbm>>
      tpu.wait_dma2 semaphore(%run_scoped3A : memref<!tpu.dma_semaphore, #tpu.memory_space<semaphore_mem>>) src(%dma_wait3A_75 : memref<16xi32, #tpu.memory_space<hbm>>) dst(%arg11 : memref<16xi32, #tpu.memory_space<vmem>>)
      tpu.yield
    }) : () -> ()
    %add3A_48 = arith.constant 9984 : i32
    %add3A_49 = arith.addi %mul3A_2, %add3A_48 : i32
    "tpu.region"() ({
      %run_scoped3A = tpu.sem_alloc : memref<!tpu.dma_semaphore, #tpu.memory_space<semaphore_mem>>
      %dma_start3A_72 = tpu.memref_slice %arg4[%add3A_49] : memref<320000xi32, #tpu.memory_space<hbm>> -> memref<16xi32, #tpu.memory_space<hbm>>
      %dma_start3A_73 = tpu.memref_slice %arg4[%add3A_49] : memref<320000xi32, #tpu.memory_space<hbm>> -> memref<16xi32, #tpu.memory_space<hbm>>
      tpu.enqueue_dma source(%dma_start3A_73 : memref<16xi32, #tpu.memory_space<hbm>>) target(%arg12 : memref<16xi32, #tpu.memory_space<vmem>>) target_semaphore(%run_scoped3A : memref<!tpu.dma_semaphore, #tpu.memory_space<semaphore_mem>>)
      %dma_wait3A_74 = tpu.memref_slice %arg4[%add3A_49] : memref<320000xi32, #tpu.memory_space<hbm>> -> memref<16xi32, #tpu.memory_space<hbm>>
      %dma_wait3A_75 = tpu.memref_slice %arg4[%add3A_49] : memref<320000xi32, #tpu.memory_space<hbm>> -> memref<16xi32, #tpu.memory_space<hbm>>
      tpu.wait_dma2 semaphore(%run_scoped3A : memref<!tpu.dma_semaphore, #tpu.memory_space<semaphore_mem>>) src(%dma_wait3A_75 : memref<16xi32, #tpu.memory_space<hbm>>) dst(%arg12 : memref<16xi32, #tpu.memory_space<vmem>>)
      tpu.yield
    }) : () -> ()
    %dma_start3A_50 = arith.constant 0 : i32
    %dma_start3A_51 = arith.constant 0 : i32
    %dma_start3A_52 = tpu.memref_slice %arg13[%dma_start3A_50, %dma_start3A_51] : memref<128x128xf32, #tpu.memory_space<vmem>> -> memref<16x128xf32, #tpu.memory_space<vmem>>
    %dma_start3A_53 = arith.constant 0 : i32
    %dma_start3A_54 = arith.constant 0 : i32
    %dma_start3A_55 = tpu.memref_slice %arg2[%dma_start3A_53, %dma_start3A_54] : memref<10000x128xf32, #tpu.memory_space<hbm>> -> memref<10000x128xf32, #tpu.memory_space<hbm>>
    tpu.enqueue_indirect_dma source(%dma_start3A_55 : memref<10000x128xf32, #tpu.memory_space<hbm>>) target(%dma_start3A_52 : memref<16x128xf32, #tpu.memory_space<vmem>>) offsets(%arg11 : memref<16xi32, #tpu.memory_space<vmem>>) semaphore(%arg16 : memref<!tpu.dma_semaphore, #tpu.memory_space<semaphore_mem>>)
    %dma_wait3A_56 = arith.constant 0 : i32
    %dma_wait3A_57 = arith.constant 0 : i32
    %dma_wait3A_58 = tpu.memref_slice %arg13[%dma_wait3A_56, %dma_wait3A_57] : memref<128x128xf32, #tpu.memory_space<vmem>> -> memref<16x128xf32, #tpu.memory_space<vmem>>
    %dma_wait3A_59 = arith.constant 0 : i32
    %dma_wait3A_60 = arith.constant 0 : i32
    %dma_wait3A_61 = tpu.memref_slice %arg2[%dma_wait3A_59, %dma_wait3A_60] : memref<10000x128xf32, #tpu.memory_space<hbm>> -> memref<10000x128xf32, #tpu.memory_space<hbm>>
    tpu.wait_indirect_dma semaphore(%arg16 : memref<!tpu.dma_semaphore, #tpu.memory_space<semaphore_mem>>) src(%dma_wait3A_61 : memref<10000x128xf32, #tpu.memory_space<hbm>>) dst(%dma_wait3A_58 : memref<16x128xf32, #tpu.memory_space<vmem>>)
    "tpu.region"() ({
      %run_scoped3A = tpu.sem_alloc : memref<!tpu.dma_semaphore, #tpu.memory_space<semaphore_mem>>
      %dma_start3A_72 = arith.constant 0 : i32
      %dma_start3A_73 = arith.constant 0 : i32
      %dma_start3A_74 = tpu.memref_slice %arg13[%dma_start3A_72, %dma_start3A_73] : memref<128x128xf32, #tpu.memory_space<vmem>> -> memref<16x128xf32, #tpu.memory_space<vmem>>
      %dma_start3A_75 = arith.constant 0 : i32
      %dma_start3A_76 = arith.constant 0 : i32
      %dma_start3A_77 = tpu.memref_slice %arg15[%dma_start3A_75, %dma_start3A_76] : memref<10000x128xf32, #tpu.memory_space<vmem_shared>> -> memref<10000x128xf32, #tpu.memory_space<vmem_shared>>
      tpu.enqueue_indirect_dma source(%dma_start3A_74 : memref<16x128xf32, #tpu.memory_space<vmem>>) target(%dma_start3A_77 : memref<10000x128xf32, #tpu.memory_space<vmem_shared>>) offsets(%arg12 : memref<16xi32, #tpu.memory_space<vmem>>) semaphore(%run_scoped3A : memref<!tpu.dma_semaphore, #tpu.memory_space<semaphore_mem>>) {add = true}
      %dma_wait3A_78 = arith.constant 0 : i32
      %dma_wait3A_79 = arith.constant 0 : i32
      %dma_wait3A_80 = tpu.memref_slice %arg13[%dma_wait3A_78, %dma_wait3A_79] : memref<128x128xf32, #tpu.memory_space<vmem>> -> memref<16x128xf32, #tpu.memory_space<vmem>>
      %dma_wait3A_81 = arith.constant 0 : i32
      %dma_wait3A_82 = arith.constant 0 : i32
      %dma_wait3A_83 = tpu.memref_slice %arg15[%dma_wait3A_81, %dma_wait3A_82] : memref<10000x128xf32, #tpu.memory_space<vmem_shared>> -> memref<10000x128xf32, #tpu.memory_space<vmem_shared>>
      tpu.wait_indirect_dma semaphore(%run_scoped3A : memref<!tpu.dma_semaphore, #tpu.memory_space<semaphore_mem>>) src(%dma_wait3A_80 : memref<16x128xf32, #tpu.memory_space<vmem>>) dst(%dma_wait3A_83 : memref<10000x128xf32, #tpu.memory_space<vmem_shared>>)
      tpu.yield
    }) : () -> ()
    %barrier3A_62 = arith.constant 0 : index
    tpu.barrier barrier_id(%barrier3A_62)
    %lt3A = arith.constant 15 : i32
    %lt3A_63 = arith.cmpi slt, %arg1, %lt3A : i32
    %convert_element_type3A_64 = arith.extui %lt3A_63 : i1 to i32
    %cond3A_65 = arith.constant 0 : i32
    %cond3A_66 = arith.cmpi ne, %convert_element_type3A_64, %cond3A_65 : i32
    scf.if %cond3A_66 {
      %mul3A_72 = arith.constant 624 : i32
      %mul3A_73 = arith.muli %arg1, %mul3A_72 : i32
      "tpu.region"() ({
        %run_scoped3A = tpu.sem_alloc : memref<!tpu.dma_semaphore, #tpu.memory_space<semaphore_mem>>
        %dma_start3A_74 = arith.constant 0 : i32
        %dma_start3A_75 = tpu.memref_slice %arg6[%arg0, %mul3A_73, %dma_start3A_74] : memref<2x10000x128xf32, #tpu.memory_space<hbm>> -> memref<1x624x128xf32, #tpu.memory_space<hbm>>
        %dma_start3A_76 = tpu.memref_squeeze %dma_start3A_75 : memref<1x624x128xf32, #tpu.memory_space<hbm>> -> memref<624x128xf32, #tpu.memory_space<hbm>>
        %dma_start3A_77 = arith.constant 0 : i32
        %dma_start3A_78 = tpu.memref_slice %arg15[%mul3A_73, %dma_start3A_77] : memref<10000x128xf32, #tpu.memory_space<vmem_shared>> -> memref<624x128xf32, #tpu.memory_space<vmem_shared>>
        tpu.enqueue_dma source(%dma_start3A_78 : memref<624x128xf32, #tpu.memory_space<vmem_shared>>) target(%dma_start3A_76 : memref<624x128xf32, #tpu.memory_space<hbm>>) target_semaphore(%run_scoped3A : memref<!tpu.dma_semaphore, #tpu.memory_space<semaphore_mem>>)
        %dma_wait3A_79 = arith.constant 0 : i32
        %dma_wait3A_80 = tpu.memref_slice %arg6[%arg0, %mul3A_73, %dma_wait3A_79] : memref<2x10000x128xf32, #tpu.memory_space<hbm>> -> memref<1x624x128xf32, #tpu.memory_space<hbm>>
        %dma_wait3A_81 = tpu.memref_squeeze %dma_wait3A_80 : memref<1x624x128xf32, #tpu.memory_space<hbm>> -> memref<624x128xf32, #tpu.memory_space<hbm>>
        %dma_wait3A_82 = arith.constant 0 : i32
        %dma_wait3A_83 = tpu.memref_slice %arg15[%mul3A_73, %dma_wait3A_82] : memref<10000x128xf32, #tpu.memory_space<vmem_shared>> -> memref<624x128xf32, #tpu.memory_space<vmem_shared>>
        tpu.wait_dma2 semaphore(%run_scoped3A : memref<!tpu.dma_semaphore, #tpu.memory_space<semaphore_mem>>) src(%dma_wait3A_83 : memref<624x128xf32, #tpu.memory_space<vmem_shared>>) dst(%dma_wait3A_81 : memref<624x128xf32, #tpu.memory_space<hbm>>)
        tpu.yield
      }) : () -> ()
    } else {
    }
    %eq3A_67 = arith.constant 15 : i32
    %eq3A_68 = arith.cmpi eq, %arg1, %eq3A_67 : i32
    %convert_element_type3A_69 = arith.extui %eq3A_68 : i1 to i32
    %cond3A_70 = arith.constant 0 : i32
    %cond3A_71 = arith.cmpi ne, %convert_element_type3A_69, %cond3A_70 : i32
    scf.if %cond3A_71 {
      "tpu.region"() ({
        %run_scoped3A = tpu.sem_alloc : memref<!tpu.dma_semaphore, #tpu.memory_space<semaphore_mem>>
        %dma_start3A_72 = arith.constant 9360 : i32
        %dma_start3A_73 = arith.constant 0 : i32
        %dma_start3A_74 = tpu.memref_slice %arg6[%arg0, %dma_start3A_72, %dma_start3A_73] : memref<2x10000x128xf32, #tpu.memory_space<hbm>> -> memref<1x640x128xf32, #tpu.memory_space<hbm>>
        %dma_start3A_75 = tpu.memref_squeeze %dma_start3A_74 : memref<1x640x128xf32, #tpu.memory_space<hbm>> -> memref<640x128xf32, #tpu.memory_space<hbm>>
        %dma_start3A_76 = arith.constant 9360 : i32
        %dma_start3A_77 = arith.constant 0 : i32
        %dma_start3A_78 = tpu.memref_slice %arg15[%dma_start3A_76, %dma_start3A_77] : memref<10000x128xf32, #tpu.memory_space<vmem_shared>> -> memref<640x128xf32, #tpu.memory_space<vmem_shared>>
        tpu.enqueue_dma source(%dma_start3A_78 : memref<640x128xf32, #tpu.memory_space<vmem_shared>>) target(%dma_start3A_75 : memref<640x128xf32, #tpu.memory_space<hbm>>) target_semaphore(%run_scoped3A : memref<!tpu.dma_semaphore, #tpu.memory_space<semaphore_mem>>)
        %dma_wait3A_79 = arith.constant 9360 : i32
        %dma_wait3A_80 = arith.constant 0 : i32
        %dma_wait3A_81 = tpu.memref_slice %arg6[%arg0, %dma_wait3A_79, %dma_wait3A_80] : memref<2x10000x128xf32, #tpu.memory_space<hbm>> -> memref<1x640x128xf32, #tpu.memory_space<hbm>>
        %dma_wait3A_82 = tpu.memref_squeeze %dma_wait3A_81 : memref<1x640x128xf32, #tpu.memory_space<hbm>> -> memref<640x128xf32, #tpu.memory_space<hbm>>
        %dma_wait3A_83 = arith.constant 9360 : i32
        %dma_wait3A_84 = arith.constant 0 : i32
        %dma_wait3A_85 = tpu.memref_slice %arg15[%dma_wait3A_83, %dma_wait3A_84] : memref<10000x128xf32, #tpu.memory_space<vmem_shared>> -> memref<640x128xf32, #tpu.memory_space<vmem_shared>>
        tpu.wait_dma2 semaphore(%run_scoped3A : memref<!tpu.dma_semaphore, #tpu.memory_space<semaphore_mem>>) src(%dma_wait3A_85 : memref<640x128xf32, #tpu.memory_space<vmem_shared>>) dst(%dma_wait3A_82 : memref<640x128xf32, #tpu.memory_space<hbm>>)
        tpu.yield
      }) : () -> ()
    } else {
    }
    return
  }
}

#map = affine_map<(d0, d1) -> (0)>
#map1 = affine_map<(d0, d1) -> (0, 0)>
#map2 = affine_map<(d0, d1) -> (0, 0, 0)>
module attributes {stable_mosaic.version = 14 : i64} {
  func.func @_deg_kernel(%arg0: i32, %arg1: i32, %arg2: memref<320000xi32, #tpu.memory_space<hbm>>, %arg3: memref<80xi32, #tpu.memory_space<hbm>>, %arg4: memref<80x128xf32, #tpu.memory_space<hbm>>, %arg5: memref<2x80x128xf32, #tpu.memory_space<hbm>>, %arg6: memref<128xi32, #tpu.memory_space<vmem>>, %arg7: memref<128xi32, #tpu.memory_space<vmem>>, %arg8: memref<16xi32, #tpu.memory_space<vmem>>, %arg9: memref<80xi32, #tpu.memory_space<vmem>>, %arg10: memref<80x128xf32, #tpu.memory_space<vmem>>, %arg11: memref<80x128xf32, #tpu.memory_space<vmem_shared>>, %arg12: memref<!tpu.dma_semaphore, #tpu.memory_space<semaphore_mem>>, %arg13: memref<!tpu.dma_semaphore, #tpu.memory_space<semaphore_mem>>) attributes {dimension_semantics = [#tpu.dimension_semantics<core_parallel>, #tpu.dimension_semantics<subcore_parallel>], iteration_bounds = array<i64: 2, 16>, scalar_prefetch = 0 : i64, scratch_operands = 8 : i64, tpu.core_type = #tpu.core_type<sc_vector_subcore>, window_params = [{transform_indices = #map}, {transform_indices = #map}, {transform_indices = #map1}, {transform_indices = #map2}]} {
    %mul3A = arith.constant 2 : i32
    %mul3A_0 = arith.muli %arg1, %mul3A : i32
    %add3A = arith.addi %mul3A_0, %arg0 : i32
    %mul3A_1 = arith.constant 10000 : i32
    %mul3A_2 = arith.muli %add3A, %mul3A_1 : i32
    %add3A_3 = arith.constant 0 : i32
    %add3A_4 = arith.addi %mul3A_2, %add3A_3 : i32
    %dma_start3A = tpu.memref_slice %arg2[%add3A_4] : memref<320000xi32, #tpu.memory_space<hbm>> -> memref<128xi32, #tpu.memory_space<hbm>>
    %dma_start3A_5 = tpu.memref_slice %arg2[%add3A_4] : memref<320000xi32, #tpu.memory_space<hbm>> -> memref<128xi32, #tpu.memory_space<hbm>>
    tpu.enqueue_dma source(%dma_start3A_5 : memref<128xi32, #tpu.memory_space<hbm>>) target(%arg6 : memref<128xi32, #tpu.memory_space<vmem>>) target_semaphore(%arg12 : memref<!tpu.dma_semaphore, #tpu.memory_space<semaphore_mem>>)
    %add3A_6 = arith.constant 128 : i32
    %add3A_7 = arith.addi %mul3A_2, %add3A_6 : i32
    %dma_start3A_8 = tpu.memref_slice %arg2[%add3A_7] : memref<320000xi32, #tpu.memory_space<hbm>> -> memref<128xi32, #tpu.memory_space<hbm>>
    %dma_start3A_9 = tpu.memref_slice %arg2[%add3A_7] : memref<320000xi32, #tpu.memory_space<hbm>> -> memref<128xi32, #tpu.memory_space<hbm>>
    tpu.enqueue_dma source(%dma_start3A_9 : memref<128xi32, #tpu.memory_space<hbm>>) target(%arg7 : memref<128xi32, #tpu.memory_space<vmem>>) target_semaphore(%arg13 : memref<!tpu.dma_semaphore, #tpu.memory_space<semaphore_mem>>)
    "tpu.region"() ({
      %run_scoped3A = tpu.sem_alloc : memref<!tpu.dma_semaphore, #tpu.memory_space<semaphore_mem>>
      tpu.enqueue_dma source(%arg3 : memref<80xi32, #tpu.memory_space<hbm>>) target(%arg9 : memref<80xi32, #tpu.memory_space<vmem>>) target_semaphore(%run_scoped3A : memref<!tpu.dma_semaphore, #tpu.memory_space<semaphore_mem>>)
      tpu.wait_dma2 semaphore(%run_scoped3A : memref<!tpu.dma_semaphore, #tpu.memory_space<semaphore_mem>>) src(%arg3 : memref<80xi32, #tpu.memory_space<hbm>>) dst(%arg9 : memref<80xi32, #tpu.memory_space<vmem>>)
      tpu.yield
    }) : () -> ()
    "tpu.region"() ({
      %run_scoped3A = tpu.sem_alloc : memref<!tpu.dma_semaphore, #tpu.memory_space<semaphore_mem>>
      tpu.enqueue_dma source(%arg4 : memref<80x128xf32, #tpu.memory_space<hbm>>) target(%arg10 : memref<80x128xf32, #tpu.memory_space<vmem>>) target_semaphore(%run_scoped3A : memref<!tpu.dma_semaphore, #tpu.memory_space<semaphore_mem>>)
      tpu.wait_dma2 semaphore(%run_scoped3A : memref<!tpu.dma_semaphore, #tpu.memory_space<semaphore_mem>>) src(%arg4 : memref<80x128xf32, #tpu.memory_space<hbm>>) dst(%arg10 : memref<80x128xf32, #tpu.memory_space<vmem>>)
      tpu.yield
    }) : () -> ()
    %eq3A = arith.constant 0 : i32
    %eq3A_10 = arith.cmpi eq, %arg1, %eq3A : i32
    %convert_element_type3A = arith.extui %eq3A_10 : i1 to i32
    %cond3A = arith.constant 0 : i32
    %cond3A_11 = arith.cmpi ne, %convert_element_type3A, %cond3A : i32
    scf.if %cond3A_11 {
      "tpu.region"() ({
        %run_scoped3A = tpu.sem_alloc : memref<!tpu.dma_semaphore, #tpu.memory_space<semaphore_mem>>
        tpu.enqueue_dma source(%arg4 : memref<80x128xf32, #tpu.memory_space<hbm>>) target(%arg11 : memref<80x128xf32, #tpu.memory_space<vmem_shared>>) target_semaphore(%run_scoped3A : memref<!tpu.dma_semaphore, #tpu.memory_space<semaphore_mem>>)
        tpu.wait_dma2 semaphore(%run_scoped3A : memref<!tpu.dma_semaphore, #tpu.memory_space<semaphore_mem>>) src(%arg4 : memref<80x128xf32, #tpu.memory_space<hbm>>) dst(%arg11 : memref<80x128xf32, #tpu.memory_space<vmem_shared>>)
        tpu.yield
      }) : () -> ()
    } else {
    }
    %broadcast_in_dim3A = arith.constant 1.000000e+00 : f32
    %broadcast_in_dim3A_12 = vector.broadcast %broadcast_in_dim3A : f32 to vector<16xf32>
    %add3A_13 = arith.constant 0 : i32
    %add3A_14 = arith.addi %mul3A_2, %add3A_13 : i32
    %dma_wait3A = tpu.memref_slice %arg2[%add3A_14] : memref<320000xi32, #tpu.memory_space<hbm>> -> memref<128xi32, #tpu.memory_space<hbm>>
    %dma_wait3A_15 = tpu.memref_slice %arg2[%add3A_14] : memref<320000xi32, #tpu.memory_space<hbm>> -> memref<128xi32, #tpu.memory_space<hbm>>
    tpu.wait_dma2 semaphore(%arg12 : memref<!tpu.dma_semaphore, #tpu.memory_space<semaphore_mem>>) src(%dma_wait3A_15 : memref<128xi32, #tpu.memory_space<hbm>>) dst(%arg6 : memref<128xi32, #tpu.memory_space<vmem>>)
    %scan3A = arith.constant 0 : i32
    %scan3A_16 = arith.constant 39 : i32
    %scan3A_17 = arith.addi %scan3A, %scan3A_16 : i32
    %scan3A_18 = arith.constant 1 : i32
    scf.for %scan3A_41 = %scan3A to %scan3A_17 step %scan3A_18  : i32 {
      %mul3A_42 = arith.constant 1 : i32
      %mul3A_43 = arith.muli %scan3A_41, %mul3A_42 : i32
      %add3A_44 = arith.constant 0 : i32
      %add3A_45 = arith.addi %add3A_44, %mul3A_43 : i32
      %mul3A_46 = arith.constant 2 : i32
      %mul3A_47 = arith.muli %mul3A_46, %add3A_45 : i32
      %mul3A_48 = arith.constant 2 : i32
      %mul3A_49 = arith.muli %mul3A_48, %add3A_45 : i32
      %add3A_50 = arith.constant 1 : i32
      %add3A_51 = arith.addi %mul3A_49, %add3A_50 : i32
      %scan3A_52 = arith.constant 0 : i32
      %scan3A_53 = arith.constant 8 : i32
      %scan3A_54 = arith.addi %scan3A_52, %scan3A_53 : i32
      %scan3A_55 = arith.constant 1 : i32
      scf.for %scan3A_76 = %scan3A_52 to %scan3A_54 step %scan3A_55  : i32 {
        %mul3A_77 = arith.constant 1 : i32
        %mul3A_78 = arith.muli %scan3A_76, %mul3A_77 : i32
        %add3A_79 = arith.constant 0 : i32
        %add3A_80 = arith.addi %add3A_79, %mul3A_78 : i32
        %mul3A_81 = arith.constant 16 : i32
        %mul3A_82 = arith.muli %add3A_80, %mul3A_81 : i32
        %get3A_83 = arith.index_cast %mul3A_82 : i32 to index
        %get3A_84 = tpu.vector_load %arg6[%get3A_83] {strides = array<i32>} : memref<128xi32, #tpu.memory_space<vmem>>, vector<16xi32>,
        %shift_right_arithmetic3A_85 = arith.constant 7 : i32
        %shift_right_arithmetic3A_86 = vector.broadcast %shift_right_arithmetic3A_85 : i32 to vector<16xi32>
        %shift_right_arithmetic3A_87 = arith.shrsi %get3A_84, %shift_right_arithmetic3A_86 : vector<16xi32>
        %and3A_88 = arith.constant 127 : i32
        %and3A_89 = vector.broadcast %and3A_88 : i32 to vector<16xi32>
        %and3A_90 = arith.andi %get3A_84, %and3A_89 : vector<16xi32>
        tpu.vector_store_idx %arg10[%shift_right_arithmetic3A_87, %and3A_90], %broadcast_in_dim3A_12 {add = true} : memref<80x128xf32, #tpu.memory_space<vmem>>[vector<16xi32>, vector<16xi32>], vector<16xf32>,
      }
      %scan3A_56 = arith.constant 8 : i32
      %lt3A = arith.constant 38 : i32
      %lt3A_57 = arith.cmpi slt, %add3A_45, %lt3A : i32
      %convert_element_type3A_58 = arith.extui %lt3A_57 : i1 to i32
      %cond3A_59 = arith.constant 0 : i32
      %cond3A_60 = arith.cmpi ne, %convert_element_type3A_58, %cond3A_59 : i32
      scf.if %cond3A_60 {
        %add3A_76 = arith.constant 2 : i32
        %add3A_77 = arith.addi %mul3A_47, %add3A_76 : i32
        %mul3A_78 = arith.constant 128 : i32
        %mul3A_79 = arith.muli %add3A_77, %mul3A_78 : i32
        %add3A_80 = arith.addi %mul3A_2, %mul3A_79 : i32
        %dma_start3A_81 = tpu.memref_slice %arg2[%add3A_80] : memref<320000xi32, #tpu.memory_space<hbm>> -> memref<128xi32, #tpu.memory_space<hbm>>
        %dma_start3A_82 = tpu.memref_slice %arg2[%add3A_80] : memref<320000xi32, #tpu.memory_space<hbm>> -> memref<128xi32, #tpu.memory_space<hbm>>
        tpu.enqueue_dma source(%dma_start3A_82 : memref<128xi32, #tpu.memory_space<hbm>>) target(%arg6 : memref<128xi32, #tpu.memory_space<vmem>>) target_semaphore(%arg12 : memref<!tpu.dma_semaphore, #tpu.memory_space<semaphore_mem>>)
      } else {
      }
      %mul3A_61 = arith.constant 128 : i32
      %mul3A_62 = arith.muli %add3A_51, %mul3A_61 : i32
      %add3A_63 = arith.addi %mul3A_2, %mul3A_62 : i32
      %dma_wait3A_64 = tpu.memref_slice %arg2[%add3A_63] : memref<320000xi32, #tpu.memory_space<hbm>> -> memref<128xi32, #tpu.memory_space<hbm>>
      %dma_wait3A_65 = tpu.memref_slice %arg2[%add3A_63] : memref<320000xi32, #tpu.memory_space<hbm>> -> memref<128xi32, #tpu.memory_space<hbm>>
      tpu.wait_dma2 semaphore(%arg13 : memref<!tpu.dma_semaphore, #tpu.memory_space<semaphore_mem>>) src(%dma_wait3A_65 : memref<128xi32, #tpu.memory_space<hbm>>) dst(%arg7 : memref<128xi32, #tpu.memory_space<vmem>>)
      %scan3A_66 = arith.constant 0 : i32
      %scan3A_67 = arith.constant 8 : i32
      %scan3A_68 = arith.addi %scan3A_66, %scan3A_67 : i32
      %scan3A_69 = arith.constant 1 : i32
      scf.for %scan3A_76 = %scan3A_66 to %scan3A_68 step %scan3A_69  : i32 {
        %mul3A_77 = arith.constant 1 : i32
        %mul3A_78 = arith.muli %scan3A_76, %mul3A_77 : i32
        %add3A_79 = arith.constant 0 : i32
        %add3A_80 = arith.addi %add3A_79, %mul3A_78 : i32
        %mul3A_81 = arith.constant 16 : i32
        %mul3A_82 = arith.muli %add3A_80, %mul3A_81 : i32
        %get3A_83 = arith.index_cast %mul3A_82 : i32 to index
        %get3A_84 = tpu.vector_load %arg7[%get3A_83] {strides = array<i32>} : memref<128xi32, #tpu.memory_space<vmem>>, vector<16xi32>,
        %shift_right_arithmetic3A_85 = arith.constant 7 : i32
        %shift_right_arithmetic3A_86 = vector.broadcast %shift_right_arithmetic3A_85 : i32 to vector<16xi32>
        %shift_right_arithmetic3A_87 = arith.shrsi %get3A_84, %shift_right_arithmetic3A_86 : vector<16xi32>
        %and3A_88 = arith.constant 127 : i32
        %and3A_89 = vector.broadcast %and3A_88 : i32 to vector<16xi32>
        %and3A_90 = arith.andi %get3A_84, %and3A_89 : vector<16xi32>
        tpu.vector_store_idx %arg10[%shift_right_arithmetic3A_87, %and3A_90], %broadcast_in_dim3A_12 {add = true} : memref<80x128xf32, #tpu.memory_space<vmem>>[vector<16xi32>, vector<16xi32>], vector<16xf32>,
      }
      %scan3A_70 = arith.constant 8 : i32
      %lt3A_71 = arith.constant 38 : i32
      %lt3A_72 = arith.cmpi slt, %add3A_45, %lt3A_71 : i32
      %convert_element_type3A_73 = arith.extui %lt3A_72 : i1 to i32
      %cond3A_74 = arith.constant 0 : i32
      %cond3A_75 = arith.cmpi ne, %convert_element_type3A_73, %cond3A_74 : i32
      scf.if %cond3A_75 {
        %add3A_76 = arith.constant 2 : i32
        %add3A_77 = arith.addi %add3A_51, %add3A_76 : i32
        %mul3A_78 = arith.constant 128 : i32
        %mul3A_79 = arith.muli %add3A_77, %mul3A_78 : i32
        %add3A_80 = arith.addi %mul3A_2, %mul3A_79 : i32
        %dma_start3A_81 = tpu.memref_slice %arg2[%add3A_80] : memref<320000xi32, #tpu.memory_space<hbm>> -> memref<128xi32, #tpu.memory_space<hbm>>
        %dma_start3A_82 = tpu.memref_slice %arg2[%add3A_80] : memref<320000xi32, #tpu.memory_space<hbm>> -> memref<128xi32, #tpu.memory_space<hbm>>
        tpu.enqueue_dma source(%dma_start3A_82 : memref<128xi32, #tpu.memory_space<hbm>>) target(%arg7 : memref<128xi32, #tpu.memory_space<vmem>>) target_semaphore(%arg13 : memref<!tpu.dma_semaphore, #tpu.memory_space<semaphore_mem>>)
        %add3A_83 = arith.constant 2 : i32
        %add3A_84 = arith.addi %mul3A_47, %add3A_83 : i32
        %mul3A_85 = arith.constant 128 : i32
        %mul3A_86 = arith.muli %add3A_84, %mul3A_85 : i32
        %add3A_87 = arith.addi %mul3A_2, %mul3A_86 : i32
        %dma_wait3A_88 = tpu.memref_slice %arg2[%add3A_87] : memref<320000xi32, #tpu.memory_space<hbm>> -> memref<128xi32, #tpu.memory_space<hbm>>
        %dma_wait3A_89 = tpu.memref_slice %arg2[%add3A_87] : memref<320000xi32, #tpu.memory_space<hbm>> -> memref<128xi32, #tpu.memory_space<hbm>>
        tpu.wait_dma2 semaphore(%arg12 : memref<!tpu.dma_semaphore, #tpu.memory_space<semaphore_mem>>) src(%dma_wait3A_89 : memref<128xi32, #tpu.memory_space<hbm>>) dst(%arg6 : memref<128xi32, #tpu.memory_space<vmem>>)
      } else {
      }
    }
    %scan3A_19 = arith.constant 39 : i32
    %add3A_20 = arith.constant 9984 : i32
    %add3A_21 = arith.addi %mul3A_2, %add3A_20 : i32
    "tpu.region"() ({
      %run_scoped3A = tpu.sem_alloc : memref<!tpu.dma_semaphore, #tpu.memory_space<semaphore_mem>>
      %dma_start3A_41 = tpu.memref_slice %arg2[%add3A_21] : memref<320000xi32, #tpu.memory_space<hbm>> -> memref<16xi32, #tpu.memory_space<hbm>>
      %dma_start3A_42 = tpu.memref_slice %arg2[%add3A_21] : memref<320000xi32, #tpu.memory_space<hbm>> -> memref<16xi32, #tpu.memory_space<hbm>>
      tpu.enqueue_dma source(%dma_start3A_42 : memref<16xi32, #tpu.memory_space<hbm>>) target(%arg8 : memref<16xi32, #tpu.memory_space<vmem>>) target_semaphore(%run_scoped3A : memref<!tpu.dma_semaphore, #tpu.memory_space<semaphore_mem>>)
      %dma_wait3A_43 = tpu.memref_slice %arg2[%add3A_21] : memref<320000xi32, #tpu.memory_space<hbm>> -> memref<16xi32, #tpu.memory_space<hbm>>
      %dma_wait3A_44 = tpu.memref_slice %arg2[%add3A_21] : memref<320000xi32, #tpu.memory_space<hbm>> -> memref<16xi32, #tpu.memory_space<hbm>>
      tpu.wait_dma2 semaphore(%run_scoped3A : memref<!tpu.dma_semaphore, #tpu.memory_space<semaphore_mem>>) src(%dma_wait3A_44 : memref<16xi32, #tpu.memory_space<hbm>>) dst(%arg8 : memref<16xi32, #tpu.memory_space<vmem>>)
      tpu.yield
    }) : () -> ()
    %scan3A_22 = arith.constant 0 : i32
    %mul3A_23 = arith.constant 1 : i32
    %mul3A_24 = arith.muli %scan3A_22, %mul3A_23 : i32
    %add3A_25 = arith.constant 0 : i32
    %add3A_26 = arith.addi %add3A_25, %mul3A_24 : i32
    %mul3A_27 = arith.constant 16 : i32
    %mul3A_28 = arith.muli %add3A_26, %mul3A_27 : i32
    %get3A = arith.index_cast %mul3A_28 : i32 to index
    %get3A_29 = tpu.vector_load %arg8[%get3A] {strides = array<i32>} : memref<16xi32, #tpu.memory_space<vmem>>, vector<16xi32>,
    %shift_right_arithmetic3A = arith.constant 7 : i32
    %shift_right_arithmetic3A_30 = vector.broadcast %shift_right_arithmetic3A : i32 to vector<16xi32>
    %shift_right_arithmetic3A_31 = arith.shrsi %get3A_29, %shift_right_arithmetic3A_30 : vector<16xi32>
    %and3A = arith.constant 127 : i32
    %and3A_32 = vector.broadcast %and3A : i32 to vector<16xi32>
    %and3A_33 = arith.andi %get3A_29, %and3A_32 : vector<16xi32>
    tpu.vector_store_idx %arg10[%shift_right_arithmetic3A_31, %and3A_33], %broadcast_in_dim3A_12 {add = true} : memref<80x128xf32, #tpu.memory_space<vmem>>[vector<16xi32>, vector<16xi32>], vector<16xf32>,
    %scan3A_34 = arith.constant 1 : i32
    %barrier3A = arith.constant 0 : index
    tpu.barrier barrier_id(%barrier3A)
    "tpu.region"() ({
      %run_scoped3A = tpu.sem_alloc : memref<!tpu.dma_semaphore, #tpu.memory_space<semaphore_mem>>
      %dma_start3A_41 = arith.constant 0 : i32
      %dma_start3A_42 = arith.constant 0 : i32
      %dma_start3A_43 = tpu.memref_slice %arg11[%dma_start3A_41, %dma_start3A_42] : memref<80x128xf32, #tpu.memory_space<vmem_shared>> -> memref<80x128xf32, #tpu.memory_space<vmem_shared>>
      tpu.enqueue_indirect_dma source(%arg10 : memref<80x128xf32, #tpu.memory_space<vmem>>) target(%dma_start3A_43 : memref<80x128xf32, #tpu.memory_space<vmem_shared>>) offsets(%arg9 : memref<80xi32, #tpu.memory_space<vmem>>) semaphore(%run_scoped3A : memref<!tpu.dma_semaphore, #tpu.memory_space<semaphore_mem>>) {add = true}
      %dma_wait3A_44 = arith.constant 0 : i32
      %dma_wait3A_45 = arith.constant 0 : i32
      %dma_wait3A_46 = tpu.memref_slice %arg11[%dma_wait3A_44, %dma_wait3A_45] : memref<80x128xf32, #tpu.memory_space<vmem_shared>> -> memref<80x128xf32, #tpu.memory_space<vmem_shared>>
      tpu.wait_indirect_dma semaphore(%run_scoped3A : memref<!tpu.dma_semaphore, #tpu.memory_space<semaphore_mem>>) src(%arg10 : memref<80x128xf32, #tpu.memory_space<vmem>>) dst(%dma_wait3A_46 : memref<80x128xf32, #tpu.memory_space<vmem_shared>>)
      tpu.yield
    }) : () -> ()
    %barrier3A_35 = arith.constant 0 : index
    tpu.barrier barrier_id(%barrier3A_35)
    %eq3A_36 = arith.constant 0 : i32
    %eq3A_37 = arith.cmpi eq, %arg1, %eq3A_36 : i32
    %convert_element_type3A_38 = arith.extui %eq3A_37 : i1 to i32
    %cond3A_39 = arith.constant 0 : i32
    %cond3A_40 = arith.cmpi ne, %convert_element_type3A_38, %cond3A_39 : i32
    scf.if %cond3A_40 {
      "tpu.region"() ({
        %run_scoped3A = tpu.sem_alloc : memref<!tpu.dma_semaphore, #tpu.memory_space<semaphore_mem>>
        %dma_start3A_41 = arith.constant 0 : i32
        %dma_start3A_42 = arith.constant 0 : i32
        %dma_start3A_43 = tpu.memref_slice %arg5[%arg0, %dma_start3A_41, %dma_start3A_42] : memref<2x80x128xf32, #tpu.memory_space<hbm>> -> memref<1x80x128xf32, #tpu.memory_space<hbm>>
        %dma_start3A_44 = tpu.memref_squeeze %dma_start3A_43 : memref<1x80x128xf32, #tpu.memory_space<hbm>> -> memref<80x128xf32, #tpu.memory_space<hbm>>
        tpu.enqueue_dma source(%arg11 : memref<80x128xf32, #tpu.memory_space<vmem_shared>>) target(%dma_start3A_44 : memref<80x128xf32, #tpu.memory_space<hbm>>) target_semaphore(%run_scoped3A : memref<!tpu.dma_semaphore, #tpu.memory_space<semaphore_mem>>)
        %dma_wait3A_45 = arith.constant 0 : i32
        %dma_wait3A_46 = arith.constant 0 : i32
        %dma_wait3A_47 = tpu.memref_slice %arg5[%arg0, %dma_wait3A_45, %dma_wait3A_46] : memref<2x80x128xf32, #tpu.memory_space<hbm>> -> memref<1x80x128xf32, #tpu.memory_space<hbm>>
        %dma_wait3A_48 = tpu.memref_squeeze %dma_wait3A_47 : memref<1x80x128xf32, #tpu.memory_space<hbm>> -> memref<80x128xf32, #tpu.memory_space<hbm>>
        tpu.wait_dma2 semaphore(%run_scoped3A : memref<!tpu.dma_semaphore, #tpu.memory_space<semaphore_mem>>) src(%arg11 : memref<80x128xf32, #tpu.memory_space<vmem_shared>>) dst(%dma_wait3A_48 : memref<80x128xf32, #tpu.memory_space<hbm>>)
        tpu.yield
      }) : () -> ()
    } else {
    }
    return
  }
}

module attributes {stable_mosaic.version = 14 : i64} {
  func.func @_mm_scale_body(%arg0: i32, %arg1: memref<5000x128xf32, #tpu.memory_space<vmem>>, %arg2: memref<128x128xf32, #tpu.memory_space<vmem>>, %arg3: memref<2x5000x1xf32, #tpu.memory_space<vmem>>, %arg4: memref<5000x128xf32, #tpu.memory_space<vmem>>) attributes {dimension_semantics = [#tpu.dimension_semantics<arbitrary>], iteration_bounds = array<i64: 2>, scalar_prefetch = 0 : i64, scratch_operands = 0 : i64, tpu.core_type = #tpu.core_type<tc>, window_params = [{transform_indices = @transform_0, window_bounds = array<i64: 5000, 128>}, {pipeline_mode = #tpu.pipeline_mode<synchronous>, transform_indices = @transform_1, window_bounds = array<i64: 128, 128>}, {transform_indices = @transform_2, window_bounds = array<i64: 2, 5000, 1>}, {transform_indices = @transform_3, window_bounds = array<i64: 5000, 128>}]} {
    %get3A = arith.constant 0 : index
    %get3A_0 = arith.constant 0 : index
    %get3A_1 = arith.constant 0 : index
    %get3A_2 = vector.load %arg3[%get3A, %get3A_0, %get3A_1] : memref<2x5000x1xf32, #tpu.memory_space<vmem>>, vector<1x5000x1xf32>
    %get3A_3 = vector.shape_cast %get3A_2 : vector<1x5000x1xf32> to vector<5000x1xf32>
    %get3A_4 = arith.constant 1 : index
    %get3A_5 = arith.constant 0 : index
    %get3A_6 = arith.constant 0 : index
    %get3A_7 = vector.load %arg3[%get3A_4, %get3A_5, %get3A_6] : memref<2x5000x1xf32, #tpu.memory_space<vmem>>, vector<1x5000x1xf32>
    %get3A_8 = vector.shape_cast %get3A_7 : vector<1x5000x1xf32> to vector<5000x1xf32>
    %add3A = arith.addf %get3A_3, %get3A_8 : vector<5000x1xf32>
    %add3A_9 = arith.constant 1.000000e+00 : f32
    %add3A_10 = vector.broadcast %add3A_9 : f32 to vector<5000x1xf32>
    %add3A_11 = arith.addf %add3A, %add3A_10 : vector<5000x1xf32>
    %get3A_12 = arith.constant 0 : index
    %get3A_13 = arith.constant 0 : index
    %get3A_14 = vector.load %arg1[%get3A_12, %get3A_13] : memref<5000x128xf32, #tpu.memory_space<vmem>>, vector<5000x128xf32>
    %get3A_15 = arith.constant 0 : index
    %get3A_16 = arith.constant 0 : index
    %get3A_17 = vector.load %arg2[%get3A_15, %get3A_16] : memref<128x128xf32, #tpu.memory_space<vmem>>, vector<128x128xf32>
    %dot_general3A = arith.constant dense<0.000000e+00> : vector<5000x128xf32>
    %dot_general3A_18 = tpu.matmul %get3A_14, %get3A_17, %dot_general3A {dimension_numbers = #tpu.dot_dimension_numbers<[1], [0], [0], [1], [0, 0, 1, 1], [], []>, transpose_lhs_hint = false} : vector<5000x128xf32>, vector<128x128xf32>, vector<5000x128xf32> -> vector<5000x128xf32>
    %rsqrt3A = math.rsqrt %add3A_11 : vector<5000x1xf32>
    %mul3A = vector.broadcast %rsqrt3A : vector<5000x1xf32> to vector<5000x128xf32>
    %mul3A_19 = arith.mulf %dot_general3A_18, %mul3A : vector<5000x128xf32>
    %swap3A = arith.constant 0 : index
    %swap3A_20 = arith.constant 0 : index
    %swap3A_21 = vector.load %arg4[%swap3A, %swap3A_20] : memref<5000x128xf32, #tpu.memory_space<vmem>>, vector<5000x128xf32>
    tpu.vector_store %arg4[%swap3A, %swap3A_20], %mul3A_19 {strides = array<i32>} : memref<5000x128xf32, #tpu.memory_space<vmem>>, vector<5000x128xf32>,
    return
  }
  func.func @transform_0(%arg0: i32) -> (i32, i32) {
    %c0_i32 = arith.constant 0 : i32
    %c0_i32_0 = arith.constant 0 : i32
    return %arg0, %c0_i32 : i32, i32
  }
  func.func @transform_1(%arg0: i32) -> (i32, i32) {
    %c0_i32 = arith.constant 0 : i32
    %c0_i32_0 = arith.constant 0 : i32
    %c0_i32_1 = arith.constant 0 : i32
    return %c0_i32, %c0_i32_0 : i32, i32
  }
  func.func @transform_2(%arg0: i32) -> (i32, i32, i32) {
    %c0_i32 = arith.constant 0 : i32
    %c0_i32_0 = arith.constant 0 : i32
    %c0_i32_1 = arith.constant 0 : i32
    return %c0_i32, %arg0, %c0_i32_0 : i32, i32, i32
  }
  func.func @transform_3(%arg0: i32) -> (i32, i32) {
    %c0_i32 = arith.constant 0 : i32
    %c0_i32_0 = arith.constant 0 : i32
    return %arg0, %c0_i32 : i32, i32
  }
}

module attributes {stable_mosaic.version = 14 : i64} {
  func.func @_final_body(%arg0: i32, %arg1: memref<2x5000x128xf32, #tpu.memory_space<vmem>>, %arg2: memref<2x5000x1xf32, #tpu.memory_space<vmem>>, %arg3: memref<5000x128xf32, #tpu.memory_space<vmem>>, %arg4: memref<1x128xf32, #tpu.memory_space<vmem>>, %arg5: memref<1x128xf32, #tpu.memory_space<vmem>>, %arg6: memref<1x128xf32, #tpu.memory_space<vmem>>, %arg7: memref<1x128xf32, #tpu.memory_space<vmem>>, %arg8: memref<1x128xf32, #tpu.memory_space<vmem>>, %arg9: memref<5000x128xf32, #tpu.memory_space<vmem>>) attributes {dimension_semantics = [#tpu.dimension_semantics<arbitrary>], iteration_bounds = array<i64: 2>, scalar_prefetch = 0 : i64, scratch_operands = 0 : i64, tpu.core_type = #tpu.core_type<tc>, window_params = [{transform_indices = @transform_0, window_bounds = array<i64: 2, 5000, 128>}, {transform_indices = @transform_1, window_bounds = array<i64: 2, 5000, 1>}, {transform_indices = @transform_2, window_bounds = array<i64: 5000, 128>}, {pipeline_mode = #tpu.pipeline_mode<synchronous>, transform_indices = @transform_3, window_bounds = array<i64: 1, 128>}, {pipeline_mode = #tpu.pipeline_mode<synchronous>, transform_indices = @transform_4, window_bounds = array<i64: 1, 128>}, {pipeline_mode = #tpu.pipeline_mode<synchronous>, transform_indices = @transform_5, window_bounds = array<i64: 1, 128>}, {pipeline_mode = #tpu.pipeline_mode<synchronous>, transform_indices = @transform_6, window_bounds = array<i64: 1, 128>}, {pipeline_mode = #tpu.pipeline_mode<synchronous>, transform_indices = @transform_7, window_bounds = array<i64: 1, 128>}, {transform_indices = @transform_8, window_bounds = array<i64: 5000, 128>}]} {
    %get3A = arith.constant 0 : index
    %get3A_0 = arith.constant 0 : index
    %get3A_1 = arith.constant 0 : index
    %get3A_2 = vector.load %arg2[%get3A, %get3A_0, %get3A_1] : memref<2x5000x1xf32, #tpu.memory_space<vmem>>, vector<1x5000x1xf32>
    %get3A_3 = vector.shape_cast %get3A_2 : vector<1x5000x1xf32> to vector<5000x1xf32>
    %get3A_4 = arith.constant 1 : index
    %get3A_5 = arith.constant 0 : index
    %get3A_6 = arith.constant 0 : index
    %get3A_7 = vector.load %arg2[%get3A_4, %get3A_5, %get3A_6] : memref<2x5000x1xf32, #tpu.memory_space<vmem>>, vector<1x5000x1xf32>
    %get3A_8 = vector.shape_cast %get3A_7 : vector<1x5000x1xf32> to vector<5000x1xf32>
    %add3A = arith.addf %get3A_3, %get3A_8 : vector<5000x1xf32>
    %add3A_9 = arith.constant 1.000000e+00 : f32
    %add3A_10 = vector.broadcast %add3A_9 : f32 to vector<5000x1xf32>
    %add3A_11 = arith.addf %add3A, %add3A_10 : vector<5000x1xf32>
    %rsqrt3A = math.rsqrt %add3A_11 : vector<5000x1xf32>
    %get3A_12 = arith.constant 0 : index
    %get3A_13 = arith.constant 0 : index
    %get3A_14 = arith.constant 0 : index
    %get3A_15 = vector.load %arg1[%get3A_12, %get3A_13, %get3A_14] : memref<2x5000x128xf32, #tpu.memory_space<vmem>>, vector<1x5000x128xf32>
    %get3A_16 = vector.shape_cast %get3A_15 : vector<1x5000x128xf32> to vector<5000x128xf32>
    %get3A_17 = arith.constant 1 : index
    %get3A_18 = arith.constant 0 : index
    %get3A_19 = arith.constant 0 : index
    %get3A_20 = vector.load %arg1[%get3A_17, %get3A_18, %get3A_19] : memref<2x5000x128xf32, #tpu.memory_space<vmem>>, vector<1x5000x128xf32>
    %get3A_21 = vector.shape_cast %get3A_20 : vector<1x5000x128xf32> to vector<5000x128xf32>
    %add3A_22 = arith.addf %get3A_16, %get3A_21 : vector<5000x128xf32>
    %mul3A = vector.broadcast %rsqrt3A : vector<5000x1xf32> to vector<5000x128xf32>
    %mul3A_23 = arith.mulf %add3A_22, %mul3A : vector<5000x128xf32>
    %get3A_24 = arith.constant 0 : index
    %get3A_25 = arith.constant 0 : index
    %get3A_26 = vector.load %arg5[%get3A_24, %get3A_25] : memref<1x128xf32, #tpu.memory_space<vmem>>, vector<1x128xf32>
    %get3A_27 = arith.constant 0 : index
    %get3A_28 = arith.constant 0 : index
    %get3A_29 = vector.load %arg8[%get3A_27, %get3A_28] : memref<1x128xf32, #tpu.memory_space<vmem>>, vector<1x128xf32>
    %add3A_30 = arith.constant 9.99999974E-6 : f32
    %add3A_31 = vector.broadcast %add3A_30 : f32 to vector<1x128xf32>
    %add3A_32 = arith.addf %get3A_29, %add3A_31 : vector<1x128xf32>
    %rsqrt3A_33 = math.rsqrt %add3A_32 : vector<1x128xf32>
    %mul3A_34 = arith.mulf %get3A_26, %rsqrt3A_33 : vector<1x128xf32>
    %get3A_35 = arith.constant 0 : index
    %get3A_36 = arith.constant 0 : index
    %get3A_37 = vector.load %arg4[%get3A_35, %get3A_36] : memref<1x128xf32, #tpu.memory_space<vmem>>, vector<1x128xf32>
    %add3A_38 = vector.broadcast %get3A_37 : vector<1x128xf32> to vector<5000x128xf32>
    %add3A_39 = arith.addf %mul3A_23, %add3A_38 : vector<5000x128xf32>
    %get3A_40 = arith.constant 0 : index
    %get3A_41 = arith.constant 0 : index
    %get3A_42 = vector.load %arg7[%get3A_40, %get3A_41] : memref<1x128xf32, #tpu.memory_space<vmem>>, vector<1x128xf32>
    %sub3A = vector.broadcast %get3A_42 : vector<1x128xf32> to vector<5000x128xf32>
    %sub3A_43 = arith.subf %add3A_39, %sub3A : vector<5000x128xf32>
    %mul3A_44 = vector.broadcast %mul3A_34 : vector<1x128xf32> to vector<5000x128xf32>
    %mul3A_45 = arith.mulf %sub3A_43, %mul3A_44 : vector<5000x128xf32>
    %get3A_46 = arith.constant 0 : index
    %get3A_47 = arith.constant 0 : index
    %get3A_48 = vector.load %arg6[%get3A_46, %get3A_47] : memref<1x128xf32, #tpu.memory_space<vmem>>, vector<1x128xf32>
    %add3A_49 = vector.broadcast %get3A_48 : vector<1x128xf32> to vector<5000x128xf32>
    %add3A_50 = arith.addf %mul3A_45, %add3A_49 : vector<5000x128xf32>
    %max3A = arith.constant 0.000000e+00 : f32
    %max3A_51 = vector.broadcast %max3A : f32 to vector<5000x128xf32>
    %max3A_52 = arith.maximumf %add3A_50, %max3A_51 : vector<5000x128xf32>
    %get3A_53 = arith.constant 0 : index
    %get3A_54 = arith.constant 0 : index
    %get3A_55 = vector.load %arg3[%get3A_53, %get3A_54] : memref<5000x128xf32, #tpu.memory_space<vmem>>, vector<5000x128xf32>
    %add3A_56 = arith.addf %max3A_52, %get3A_55 : vector<5000x128xf32>
    %swap3A = arith.constant 0 : index
    %swap3A_57 = arith.constant 0 : index
    %swap3A_58 = vector.load %arg9[%swap3A, %swap3A_57] : memref<5000x128xf32, #tpu.memory_space<vmem>>, vector<5000x128xf32>
    tpu.vector_store %arg9[%swap3A, %swap3A_57], %add3A_56 {strides = array<i32>} : memref<5000x128xf32, #tpu.memory_space<vmem>>, vector<5000x128xf32>,
    return
  }
  func.func @transform_0(%arg0: i32) -> (i32, i32, i32) {
    %c0_i32 = arith.constant 0 : i32
    %c0_i32_0 = arith.constant 0 : i32
    %c0_i32_1 = arith.constant 0 : i32
    return %c0_i32, %arg0, %c0_i32_0 : i32, i32, i32
  }
  func.func @transform_1(%arg0: i32) -> (i32, i32, i32) {
    %c0_i32 = arith.constant 0 : i32
    %c0_i32_0 = arith.constant 0 : i32
    %c0_i32_1 = arith.constant 0 : i32
    return %c0_i32, %arg0, %c0_i32_0 : i32, i32, i32
  }
  func.func @transform_2(%arg0: i32) -> (i32, i32) {
    %c0_i32 = arith.constant 0 : i32
    %c0_i32_0 = arith.constant 0 : i32
    return %arg0, %c0_i32 : i32, i32
  }
  func.func @transform_3(%arg0: i32) -> (i32, i32) {
    %c0_i32 = arith.constant 0 : i32
    %c0_i32_0 = arith.constant 0 : i32
    %c0_i32_1 = arith.constant 0 : i32
    return %c0_i32, %c0_i32_0 : i32, i32
  }
  func.func @transform_4(%arg0: i32) -> (i32, i32) {
    %c0_i32 = arith.constant 0 : i32
    %c0_i32_0 = arith.constant 0 : i32
    %c0_i32_1 = arith.constant 0 : i32
    return %c0_i32, %c0_i32_0 : i32, i32
  }
  func.func @transform_5(%arg0: i32) -> (i32, i32) {
    %c0_i32 = arith.constant 0 : i32
    %c0_i32_0 = arith.constant 0 : i32
    %c0_i32_1 = arith.constant 0 : i32
    return %c0_i32, %c0_i32_0 : i32, i32
  }
  func.func @transform_6(%arg0: i32) -> (i32, i32) {
    %c0_i32 = arith.constant 0 : i32
    %c0_i32_0 = arith.constant 0 : i32
    %c0_i32_1 = arith.constant 0 : i32
    return %c0_i32, %c0_i32_0 : i32, i32
  }
  func.func @transform_7(%arg0: i32) -> (i32, i32) {
    %c0_i32 = arith.constant 0 : i32
    %c0_i32_0 = arith.constant 0 : i32
    %c0_i32_1 = arith.constant 0 : i32
    return %c0_i32, %c0_i32_0 : i32, i32
  }
  func.func @transform_8(%arg0: i32) -> (i32, i32) {
    %c0_i32 = arith.constant 0 : i32
    %c0_i32_0 = arith.constant 0 : i32
    return %arg0, %c0_i32 : i32, i32
  }
}

</mosaic_0001>

<sc_bundles>
// kernel: kernel.6.cloned.1.call-start
scs
__scs_entry_jumppad:
0x0: {  	(pc) =	sbr.rel $0x88, $3  }
0x1: {  	(tag) =	ssettag $0x0;
	lr =	simm.s32 $0x1  }
0x2: {  	[smem:$0x3F98] =	sst lr;
	_ =	strace $0xD0000000  }
0x3: {  	_ = 	snop  }
0x4: {  	_ = 	snop  }
0x5: {  	_ = 	snop  }
0x6: {  	_ = 	snop  }
0x7: {  	_ = 	snop  }
__scs_overlays_trampoline_lowered:
0x8: {  	[smem:$0x3FA7] =	sst s0  }
0x9: {  	[smem:$0x3FA8] =	sst s1  }
0xa: {  	[smem:$0x3FA9] =	sst s2  }
0xb: {  	[smem:$0x3FAA] =	sst s3  }
0xc: {  	[smem:$0x3FAB] =	sst s4  }
0xd: {  	[smem:$0x3FAC] =	sst s5  }
0xe: {  	[smem:$0x3FAD] =	sst s6  }
0xf: {  	[smem:$0x3FAE] =	sst s7  }
0x10: {  	[smem:$0x3FAF] =	sst s8  }
0x11: {  	[smem:$0x3FB0] =	sst s9;
	s0 =	simm.s32 @!p0 $0x0  }
0x12: {  	s1 =	sld [smem:$0x3F96];
	s0 =	simm.s32 @p0 $0x1  }
0x13: {  	[smem:$0x3FB1] =	sst s0;
	s0 =	simm.s32 @!p1 $0x0  }
0x14: {  	s2 =	sld [smem:$0x3F95];
	s0 =	simm.s32 @p1 $0x1  }
0x15: {  	[smem:$0x3FB2] =	sst s0;
	s0 =	simm.s32 @!p2 $0x0  }
0x16: {  	s3 =	sld [smem:$0x3FDB];
	s0 =	simm.s32 @p2 $0x1  }
0x17: {  	s4 =	simm.s32 $0x1BF5;
	[smem:$0x3FB4] =	sst s0  }
0x18: {  	s0 =	sld [smem:$0x3F97];
	_ =	swait.ge [sflag:s4], $0x0  }
0x19: {  	s7 =	sld [smem:$0x3F98]  }
0x1a: {  	s8 =	sadd.s32 $0xFFFFE003, lr  }
0x1b: {  	s9 =	sadd.s32 $0xFFFFFEF7, lr;
	s5 =	simm.s32 $0xFFFFFFFF;
	p2 =	slt.u32 s8, $0xFFFFF086  }
0x1c: {  	p1 =	slt.u32 s9, $0xF7A;
	s5 =	simm.s32 @!p2 $0x0  }
0x1d: {  	s5 =	simm.s32 @p1 $0x1;
	p0 =	seq.s32 s7, s2  }
0x1e: {  	s7 =	smul.u32 @!p0 $0xF7A, s2;
	p2 =	seq.s32 @!p0 s5, $0x0  }
0x1f: {  	s9 =	smul.u32 $0xF7A, s1;
	s8 =	simm.s32 @!p0 $0x1BF5;
	p2 =	por !p2, p0  }
0x20: {  	[sflag:s8] =	ssyncset.s32 @!p0 $0xFFFFF086;
	s6 =	sadd.s32 @!p0 s3, s7;
	s7 =	simm.s32 @!p0 $0x108  }
0x21: {  	s3 =	sadd.s32 s3, s9;
	s6 =	sadd.s32 @!p0 $0x88, s6;
	s7 =	simm.s32 @p2 $0x1082  }
0x22: {  	[simem:s7], [sflag:s8] =	dma.local @!p0 [hbm:s6], $0xF7A  }
0x23: {  	s9 =	sor.u32 $0xD0000000, s2;
	s6 =	simm.s32 $0x108;
	_ =	swait.ge @!p0 [sflag:s8], $0x0  }
0x24: {  	s3 =	sadd.s32 $0x88, s3;
	s6 =	simm.s32 @!p1 $0x1082;
	[sflag:s4] =	ssyncset.s32 $0xFFFFF086  }
0x25: {  	[simem:s6], [sflag:s4] =	dma.local [hbm:s3], $0xF7A  }
0x26: {  	[smem:$0x3F98] =	sst s1;
	(tag) =	ssettag s2;
	_ =	strace s9  }
0x27: {  	s1 =	sld [smem:$0x3FA8]  }
0x28: {  	s2 =	sld [smem:$0x3FA9]  }
0x29: {  	s4 =	sld [smem:$0x3FAB]  }
0x2a: {  	p0 =	seq.s32 s5, $0x0;
	s5 =	sld [smem:$0x3FAC]  }
0x2b: {  	s6 =	sld [smem:$0x3FAD]  }
0x2c: {  	s7 =	sld [smem:$0x3FAE]  }
0x2d: {  	s3 =	simm.s32 $0x108;
	s8 =	sld [smem:$0x3FAF]  }
0x2e: {  	s3 =	simm.s32 @!p0 $0x1082;
	s9 =	sld [smem:$0x3FB0]  }
0x2f: {  	lr =	sadd.s32 s0, s3;
	s0 =	sld [smem:$0x3FA7]  }
0x30: {  	s3 =	sld [smem:$0x3FAA]  }
0x31: {  	[smem:$0x3FB3] =	sst s10  }
0x32: {  	s10 =	sld [smem:$0x3FB1];
	_ =	sdelay $0x3  }
0x33: {  	p0 =	seq.s32 s10, $0x1;
	s10 =	sld [smem:$0x3FB3];
	_ =	sdelay $0x3  }
0x34: {  	[smem:$0x3FB3] =	sst s10  }
0x35: {  	s10 =	sld [smem:$0x3FB2];
	_ =	sdelay $0x3  }
0x36: {  	p1 =	seq.s32 s10, $0x1;
	s10 =	sld [smem:$0x3FB3];
	_ =	sdelay $0x3  }
0x37: {  	[smem:$0x3FB3] =	sst s10  }
0x38: {  	s10 =	sld [smem:$0x3FB4]  }
0x39: {  	_ = 	snop;
	(pc) =	sbr.ind lr, $3  }
0x3a: {  	_ = 	snop  }
0x3b: {  	_ = 	snop  }
0x3c: {  	p2 =	seq.s32 s10, $0x1;
	s10 =	sld [smem:$0x3FB3]  }
0x3d: {  	_ =	shalt  }
0x3e: {  	_ =	shalt  }
0x3f: {  	_ =	shalt  }
0x40: {  	_ =	shalt  }
0x41: {  	_ =	shalt  }
0x42: {  	_ =	shalt  }
0x43: {  	_ =	shalt  }
0x44: {  	_ =	shalt  }
0x45: {  	_ =	shalt  }
0x46: {  	_ =	shalt  }
0x47: {  	_ =	shalt  }
0x48: {  	_ =	shalt  }
0x49: {  	_ =	shalt  }
0x4a: {  	_ =	shalt  }
0x4b: {  	_ =	shalt  }
0x4c: {  	_ =	shalt  }
0x4d: {  	_ =	shalt  }
0x4e: {  	_ =	shalt  }
0x4f: {  	_ =	shalt  }
0x50: {  	_ =	shalt  }
0x51: {  	_ =	shalt  }
0x52: {  	_ =	shalt  }
0x53: {  	_ =	shalt  }
0x54: {  	_ =	shalt  }
0x55: {  	_ =	shalt  }
0x56: {  	_ =	shalt  }
0x57: {  	_ =	shalt  }
0x58: {  	_ =	shalt  }
0x59: {  	_ =	shalt  }
0x5a: {  	_ =	shalt  }
0x5b: {  	_ =	shalt  }
0x5c: {  	_ =	shalt  }
0x5d: {  	_ =	shalt  }
0x5e: {  	_ =	shalt  }
0x5f: {  	_ =	shalt  }
0x60: {  	_ =	shalt  }
0x61: {  	_ =	shalt  }
0x62: {  	_ =	shalt  }
0x63: {  	_ =	shalt  }
0x64: {  	_ =	shalt  }
0x65: {  	_ =	shalt  }
0x66: {  	_ =	shalt  }
0x67: {  	_ =	shalt  }
0x68: {  	_ =	shalt  }
0x69: {  	_ =	shalt  }
0x6a: {  	_ =	shalt  }
0x6b: {  	_ =	shalt  }
0x6c: {  	_ =	shalt  }
0x6d: {  	_ =	shalt  }
0x6e: {  	_ =	shalt  }
0x6f: {  	_ =	shalt  }
0x70: {  	_ =	shalt  }
0x71: {  	_ =	shalt  }
0x72: {  	_ =	shalt  }
0x73: {  	_ =	shalt  }
0x74: {  	_ =	shalt  }
0x75: {  	_ =	shalt  }
0x76: {  	_ =	shalt  }
0x77: {  	_ =	shalt  }
0x78: {  	_ =	shalt  }
0x79: {  	_ =	shalt  }
0x7a: {  	_ =	shalt  }
0x7b: {  	_ =	shalt  }
0x7c: {  	_ =	shalt  }
0x7d: {  	_ =	shalt  }
0x7e: {  	_ =	shalt  }
0x7f: {  	_ =	shalt  }
0x80: {  	_ =	shalt  }
0x81: {  	_ =	shalt  }
0x82: {  	_ =	shalt  }
0x83: {  	_ =	shalt  }
0x84: {  	_ =	shalt  }
0x85: {  	_ =	shalt  }
0x86: {  	_ =	shalt  }
0x87: {  	_ =	shalt  }
.Lfunc_end0:
.L_simem_size_0:
called_computation_lowered:
.L_overlay_start_0:
0x88: {  	s2 =	sld [smem:$0x3FD9]  }
0x89: {  	s3 =	sld [smem:$0x3FFE];
	_ =	sdelay $0x1  }
0x8a: {  	s1 =	srdreg.scid  }
0x8b: {  	s0 =	sand.u32 $0x1, s1  }
0x8c: {  	s17 =	sshll.u32 s0, $0xA;
	s2 =	sadd.s32 s3, s2  }
0x8d: {  	s2 =	sadd.s32 s2, s17  }
0x8e: {  	[smem:$0x3FBF] =	sst s2  }
0x8f: {  	_ = 	snop  }
0x90: {  	s2 =	sld [smem:$0x3FD0];
	(tm) =	ssettm $0x1  }
0x91: {  	s18 =	sld [smem:$0x3FFB];
	_ =	sdelay $0x3  }
0x92: {  	_ =	strace s18  }
0x93: {  	s3 =	sld [smem:$0x3FFC];
	_ =	sdelay $0x3  }
0x94: {  	_ =	strace s3  }
0x95: {  	s3 =	sld [smem:$0x3FFD];
	_ =	sdelay $0x3  }
0x96: {  	_ =	strace s3  }
0x97: {  	_ =	strace $0x8FFFFFFF  }
0x98: {  	s19 =	sld [smem:$0x3FDB];
	_ =	sdelay $0x1  }
0x99: {  	s4 =	simm.s32 $_scs_section_size  }
0x9a: {  	s5 =	simm.s32 $_size__tile_overlayer_lowered;
	s6 =	simm.s32 $_tile_overlayer_lowered  }
0x9b: {  	s22 =	simm.s32 $0x1BFF;
	s21 =	sshll.u32 s6, $0x1;
	s3 =	sadd.s32 s4, s19  }
0x9c: {  	s7 =	simm.s32 $0x0;
	s20 =	sshll.u32 s5, $0x1;
	s5 =	sadd.s32 s21, s3  }
0x9d: {  	[timem:s7], [sflag:s22] =	dma.local [hbm:s5], s20  }
0x9e: {  	_ =	swait.ge [sflag:s22], s20  }
0x9f: {  	s4 =	ssub.s32 $0x0, s20;
	[sflag:s22] =	ssyncset.done $0x0  }
0xa0: {  	[sflag:s22] =	ssyncadd.s32 s4;
	_ =	sdelay $0x1  }
0xa1: {  	s23 =	simm.s32 $0x1B8B  }
0xa2: {  	_ =	swait.ge [sflag:s23], $0x1  }
0xa3: {  	[sflag:s23] =	ssyncset.done $0x0  }
0xa4: {  	s25 =	simm.s32 $0x1B8E;
	s24 =	sld [smem:$0x3FFE];
	[sflag:s23] =	ssyncadd.s32 $0xFFFFFFFF  }
0xa5: {  	s26 =	simm.s32 $execute0_lowered;
	[smem:$0x3FD2] =	sst s25  }
0xa6: {  	s5 =	sshll.u32 s26, $0x1;
	_ =	strace $0x80000046;
	[dreg:$0x1] =	wrdreg $0xFFFFFFFF  }
0xa7: {  	s28 =	simm.s32 $_size_execute0_lowered;
	s3 =	sadd.s32 s3, s5;
	[dreg:$0x0] =	wrdreg $0x0  }
0xa8: {  	s5 =	sshll.u32 s28, $0x1;
	[dreg:$0x2] =	wrdreg s3  }
0xa9: {  	[dreg:$0x3] =	wrdreg s5  }
0xaa: {  	[dreg:$0x4] =	wrdreg $0xC0  }
0xab: {  	_ =	task [dreg:s7], $0x5FFFF  }
0xac: {  	[dreg:$0x1] =	wrdreg $0xFFFFFFFF  }
0xad: {  	[dreg:$0x0] =	wrdreg $0x60  }
0xae: {  	[dreg:$0x2] =	wrdreg s24  }
0xaf: {  	[dreg:$0x3] =	wrdreg s2  }
0xb0: {  	[dreg:$0x4] =	wrdreg $0x2A000  }
0xb1: {  	[dreg:$0x5] =	wrdreg $0x9  }
0xb2: {  	_ =	task.clear_ibuf [dreg:s7], $0x6FFFF;
	_ =	strace $0x90000046  }
0xb3: {  	s29 =	simm.s32 $0x9;
	_ =	strace $0x80000048  }
0xb4: {  	_ =	swait.ge [sflag:s29], $0x1  }
0xb5: {  	[sflag:s29] =	ssyncadd.s32 $0xFFFFFFFF  }
0xb6: {  	_ =	strace $0x90000048  }
0xb7: {  	_ =	sfence  }
0xb8: {  	s30 =	sld [smem:$0x0];
	_ =	sdelay $0x2  }
0xb9: {  	s31 =	sshll.u32 s1, $0xD;
	s1 =	sshrl.u32 s1, $0x2  }
0xba: {  	s3 =	sand.u32 $0x4000, s31;
	s1 =	sadd.s32 s1, s30  }
0xbb: {  	s0 =	sor.u32 s3, s0;
	s1 =	sshll.u32 s1, $0x11  }
0xbc: {  	s0 =	sor.u32 s1, s0  }
0xbd: {  	s0 =	sadd.s32 $0x8F2B, s0  }
0xbe: {  	[sflag:s0] =	ssyncadd.remote.s32 $0x1  }
0xbf: {  	_ =	sfence.sel $0xFFFF  }
0xc0: {  	[dreg:$0x0] =	wrdreg $0xFFFFFFFF;
	(pc) =	sbr.abs _section_cstart, $3  }
0xc1: {  	[dreg:$0x1] =	wrdreg $0xFFFFFFFF  }
0xc2: {  	_ =	task.clear_ibuf [dreg:s7], $0x2FFFF;
	_ =	strace $0x9FFFFFFF  }
0xc3: {  	(tm) =	ssettm $0x7FFFFFFF  }
tec
execute0_lowered:
.L_overlay_start_1:
0x0: {  	(tag) =	ssettag $0x1  }
0x1: {  	s5 =	rddreg [dreg:$0x0]  }
0x2: {  	s9 =	rddreg [dreg:$0x1];
	s0 =	srdreg.scid  }
0x3: {  	s13 =	stileid.u32;
	s1 =	rddreg [dreg:$0x2]  }
0x4: {  	s2 =	simm.s32 $0x0;
	s15 =	simm.s32 $0x3;
	s16 =	simm.s32 $0x200  }
0x5: {  	s18 =	simm.s32 $0x1;
	s19 =	simm.s32 $0x2;
	s20 =	simm.s32 $0x100  }
0x6: {  	s21 =	simm.s32 $0x50;
	s7 =	sand.u32 $0x1, s0;
	s0 =	rddreg [dreg:$0x3]  }
0x7: {  	s22 =	simm.s32 $0x0;
	s3 =	sshll.u32 s13, $0x1;
	[smem:$0x7FF] =	sst s2  }
0x8: {  	s8 =	smul.u32 $0x4E20, s13;
	s4 =	sadd.s32 $0x15E00, s5;
	p0 =	sne.s32 s13, $0x0  }
0x9: {  	s13 =	simm.s32 $0x80;
	s3 =	sor.u32 s7, s3;
	s11 =	smul.u32 $0x2710, s7  }
0xa: {  	_ =	strace $0x80000047;
	s10 =	ssub.s32 $0x2, s7;
	s31 =	smul.u32 $0x500, s7  }
0xb: {  	s17 =	sshrl.u32 @!p0 s1, $0x3;
	s6 =	smul.u32 $0x2710, s3;
	s12 =	sshrl.u32 s10, $0x1  }
0xc: {  	s3 =	sadd.s32 $0xC000, s5;
	s5 =	sadd.s32 $0x16000, s5;
	s10 =	ssub.s32 s10, s12  }
0xd: {  	s30 =	sadd.s32 s11, s8;
	s9 =	sadd.s32 s9, s31;
	s6 =	sshrl.u32 s6, $0x3  }
0xe: {  	s14 =	sadd.s32 $0x180, s30;
	s10 =	smax.u32 s10, $0x1;
	s6 =	sadd.s32 s3, s6  }
0xf: {  	s12 =	sadd.s32 $0x100, s30;
	s14 =	sshrl.u32 s14, $0x3;
	s7 =	sadd.s32 $0x10, s6  }
0x10: {  	v0 =	vimm.f32 $1.000000000e+00;
	s8 =	sadd.s32 $0x4E0, s6;
	s11 =	sadd.s32 s14, s3;
	s14 =	simm.s32 $0x180  }
.LBB2_1:
0x11: {  	[tilespmem:s2], [sflag:$0x1] =	stream.linear.gather [hbm4b:s6+s2], $0x80, $0x38;
	[tilespmem:$0x2C80] =	vst v63  }
0x12: {  	_ = 	snop  }
0x13: {  	[tilespmem:s13], [sflag:$0x2] =	stream.linear.gather [hbm4b:s7+s2], $0x80, $0x38;
	[tilespmem:$0x2C80] =	vst v63  }
0x14: {  	_ = 	snop  }
0x15: {  	[tilespmem:s14], [sflag:$0x3] =	stream.linear.gather [hbm4b:s4+s2], $0x80, $0x38;
	[tilespmem:$0x2C80] =	vst v63  }
0x16: {  	_ =	swait.ge [sflag:s15], $0x80  }
0x17: {  	[sflag:s15] =	ssyncset.done $0x0  }
0x18: {  	[sflag:s15] =	ssyncadd.s32 $0xFFFFFF80  }
0x19: {  	[tilespmem:s16], [sflag:$0x3] =	stream.linear.gather [hbm4b:s5+s2], $0x2800, $0x38;
	[tilespmem:$0x2C80] =	vst v63  }
0x1a: {  	_ =	swait.ge [sflag:s15], $0x2800  }
0x1b: {  	[sflag:s15] =	ssyncset.done $0x0  }
0x1c: {  	s23 =	simm.s32 @!p0 $0x1C03;
	[sflag:s15] =	ssyncadd.s32 $0xFFFFD800  }
0x1d: {  	[spmem:s17], [sflag:s23] =	dma.local @!p0 [hbm:s5], $0x500  }
0x1e: {  	s23 =	simm.s32 @!p0 $0x3  }
0x1f: {  	_ =	swait.ge @!p0 [sflag:s23], $0x500  }
0x20: {  	[sflag:s23] =	ssyncset.done @!p0 $0x0  }
0x21: {  	[sflag:s23] =	ssyncadd.s32 @!p0 $0xFFFFFB00  }
0x22: {  	_ =	swait.ge [sflag:s18], $0x80  }
0x23: {  	[sflag:s18] =	ssyncset.done $0x0  }
0x24: {  	s24 =	simm.s32 $0x0;
	s23 =	smov.u32 s12;
	[sflag:s18] =	ssyncadd.s32 $0xFFFFFF80  }
.LBB2_2:
0x25: {  	v1 =	vld [tilespmem:$0x0];
	_ =	sdelay $0x7  }
0x26: {  	[tilespmem:v1+s16+$0x0] =	vst.idx.add.f32.msk $0xffff, v0  }
0x27: {  	v1 =	vld [tilespmem:$0x10];
	_ =	sdelay $0x7  }
0x28: {  	[tilespmem:v1+s16+$0x0] =	vst.idx.add.f32.msk $0xffff, v0  }
0x29: {  	v1 =	vld [tilespmem:$0x20];
	_ =	sdelay $0x7  }
0x2a: {  	[tilespmem:v1+s16+$0x0] =	vst.idx.add.f32.msk $0xffff, v0  }
0x2b: {  	v1 =	vld [tilespmem:$0x30];
	_ =	sdelay $0x7  }
0x2c: {  	[tilespmem:v1+s16+$0x0] =	vst.idx.add.f32.msk $0xffff, v0  }
0x2d: {  	v1 =	vld [tilespmem:$0x40];
	_ =	sdelay $0x7  }
0x2e: {  	[tilespmem:v1+s16+$0x0] =	vst.idx.add.f32.msk $0xffff, v0  }
0x2f: {  	v1 =	vld [tilespmem:$0x50];
	_ =	sdelay $0x7  }
0x30: {  	[tilespmem:v1+s16+$0x0] =	vst.idx.add.f32.msk $0xffff, v0  }
0x31: {  	v1 =	vld [tilespmem:$0x60];
	_ =	sdelay $0x7  }
0x32: {  	[tilespmem:v1+s16+$0x0] =	vst.idx.add.f32.msk $0xffff, v0  }
0x33: {  	v1 =	vld [tilespmem:$0x70];
	_ =	sdelay $0x6  }
0x34: {  	s25 =	sshrl.u32 s23, $0x3  }
0x35: {  	s25 =	sadd.s32 s3, s25;
	[tilespmem:v1+s16+$0x0] =	vst.idx.add.f32.msk $0xffff, v0  }
0x36: {  	[tilespmem:s2], [sflag:$0x1] =	stream.linear.gather [hbm4b:s25+s2], $0x80, $0x38;
	[tilespmem:$0x2C80] =	vst v63  }
0x37: {  	_ =	swait.ge [sflag:s19], $0x80  }
0x38: {  	[sflag:s19] =	ssyncset.done $0x0  }
0x39: {  	[sflag:s19] =	ssyncadd.s32 $0xFFFFFF80  }
0x3a: {  	v1 =	vld [tilespmem:$0x80];
	_ =	sdelay $0x7  }
0x3b: {  	[tilespmem:v1+s16+$0x0] =	vst.idx.add.f32.msk $0xffff, v0  }
0x3c: {  	v1 =	vld [tilespmem:$0x90];
	_ =	sdelay $0x7  }
0x3d: {  	[tilespmem:v1+s16+$0x0] =	vst.idx.add.f32.msk $0xffff, v0  }
0x3e: {  	v1 =	vld [tilespmem:$0xA0];
	_ =	sdelay $0x7  }
0x3f: {  	[tilespmem:v1+s16+$0x0] =	vst.idx.add.f32.msk $0xffff, v0  }
0x40: {  	v1 =	vld [tilespmem:$0xB0];
	_ =	sdelay $0x7  }
0x41: {  	[tilespmem:v1+s16+$0x0] =	vst.idx.add.f32.msk $0xffff, v0  }
0x42: {  	v1 =	vld [tilespmem:$0xC0];
	_ =	sdelay $0x7  }
0x43: {  	[tilespmem:v1+s16+$0x0] =	vst.idx.add.f32.msk $0xffff, v0  }
0x44: {  	v1 =	vld [tilespmem:$0xD0];
	_ =	sdelay $0x7  }
0x45: {  	[tilespmem:v1+s16+$0x0] =	vst.idx.add.f32.msk $0xffff, v0  }
0x46: {  	v1 =	vld [tilespmem:$0xE0];
	_ =	sdelay $0x7  }
0x47: {  	[tilespmem:v1+s16+$0x0] =	vst.idx.add.f32.msk $0xffff, v0  }
0x48: {  	v1 =	vld [tilespmem:$0xF0];
	_ =	sdelay $0x6  }
0x49: {  	p1 =	sne.s32 s24, $0x4A0  }
.Ltmp0:
0x4a: {  	s31 =	sadd.s32 s24, s11;
	[tilespmem:v1+s16+$0x0] =	vst.idx.add.f32.msk $0xffff, v0;
	(pc) =	sbr.rel @p1 .LBB2_2-.Ltmp0, $4  }
0x4b: {  	[tilespmem:s13], [sflag:$0x2] =	stream.linear.gather [hbm4b:s31+s2], $0x80, $0x38;
	[tilespmem:$0x2C80] =	vst v63  }
0x4c: {  	_ =	swait.ge [sflag:s18], $0x80  }
0x4d: {  	[sflag:s18] =	ssyncset.done $0x0  }
0x4e: {  	s23 =	sadd.s32 $0x100, s23;
	s24 =	sadd.s32 $0x20, s24;
	[sflag:s18] =	ssyncadd.s32 $0xFFFFFF80  }
0x4f: {  	v1 =	vld [tilespmem:$0x0];
	_ =	sdelay $0x7  }
0x50: {  	[tilespmem:v1+s16+$0x0] =	vst.idx.add.f32.msk $0xffff, v0  }
0x51: {  	v1 =	vld [tilespmem:$0x10];
	_ =	sdelay $0x7  }
0x52: {  	[tilespmem:v1+s16+$0x0] =	vst.idx.add.f32.msk $0xffff, v0  }
0x53: {  	v1 =	vld [tilespmem:$0x20];
	_ =	sdelay $0x7  }
0x54: {  	[tilespmem:v1+s16+$0x0] =	vst.idx.add.f32.msk $0xffff, v0  }
0x55: {  	v1 =	vld [tilespmem:$0x30];
	_ =	sdelay $0x7  }
0x56: {  	[tilespmem:v1+s16+$0x0] =	vst.idx.add.f32.msk $0xffff, v0  }
0x57: {  	v1 =	vld [tilespmem:$0x40];
	_ =	sdelay $0x7  }
0x58: {  	[tilespmem:v1+s16+$0x0] =	vst.idx.add.f32.msk $0xffff, v0  }
0x59: {  	v1 =	vld [tilespmem:$0x50];
	_ =	sdelay $0x7  }
0x5a: {  	[tilespmem:v1+s16+$0x0] =	vst.idx.add.f32.msk $0xffff, v0  }
0x5b: {  	v1 =	vld [tilespmem:$0x60];
	_ =	sdelay $0x7  }
0x5c: {  	[tilespmem:v1+s16+$0x0] =	vst.idx.add.f32.msk $0xffff, v0  }
0x5d: {  	v1 =	vld [tilespmem:$0x70];
	_ =	sdelay $0x7  }
0x5e: {  	[tilespmem:v1+s16+$0x0] =	vst.idx.add.f32.msk $0xffff, v0  }
0x5f: {  	_ =	swait.ge [sflag:s19], $0x80  }
0x60: {  	[sflag:s19] =	ssyncset.done $0x0  }
0x61: {  	[sflag:s19] =	ssyncadd.s32 $0xFFFFFF80  }
0x62: {  	v1 =	vld [tilespmem:$0x80];
	_ =	sdelay $0x7  }
0x63: {  	[tilespmem:v1+s16+$0x0] =	vst.idx.add.f32.msk $0xffff, v0  }
0x64: {  	v1 =	vld [tilespmem:$0x90];
	_ =	sdelay $0x7  }
0x65: {  	[tilespmem:v1+s16+$0x0] =	vst.idx.add.f32.msk $0xffff, v0  }
0x66: {  	v1 =	vld [tilespmem:$0xA0];
	_ =	sdelay $0x7  }
0x67: {  	[tilespmem:v1+s16+$0x0] =	vst.idx.add.f32.msk $0xffff, v0  }
0x68: {  	v1 =	vld [tilespmem:$0xB0];
	_ =	sdelay $0x7  }
0x69: {  	[tilespmem:v1+s16+$0x0] =	vst.idx.add.f32.msk $0xffff, v0  }
0x6a: {  	v1 =	vld [tilespmem:$0xC0];
	_ =	sdelay $0x7  }
0x6b: {  	[tilespmem:v1+s16+$0x0] =	vst.idx.add.f32.msk $0xffff, v0  }
0x6c: {  	v1 =	vld [tilespmem:$0xD0];
	_ =	sdelay $0x7  }
0x6d: {  	[tilespmem:v1+s16+$0x0] =	vst.idx.add.f32.msk $0xffff, v0  }
0x6e: {  	v1 =	vld [tilespmem:$0xE0];
	_ =	sdelay $0x7  }
0x6f: {  	[tilespmem:v1+s16+$0x0] =	vst.idx.add.f32.msk $0xffff, v0  }
0x70: {  	v1 =	vld [tilespmem:$0xF0];
	_ =	sdelay $0x7  }
0x71: {  	[tilespmem:v1+s16+$0x0] =	vst.idx.add.f32.msk $0xffff, v0  }
0x72: {  	[tilespmem:s20], [sflag:$0x3] =	stream.linear.gather [hbm4b:s8+s2], $0x10, $0x38;
	[tilespmem:$0x2C80] =	vst v63  }
0x73: {  	_ =	swait.ge [sflag:s15], $0x10  }
0x74: {  	[sflag:s15] =	ssyncset.done $0x0  }
0x75: {  	[sflag:s15] =	ssyncadd.s32 $0xFFFFFFF0  }
0x76: {  	v1 =	vld [tilespmem:$0x100];
	_ =	sdelay $0x7  }
0x77: {  	[tilespmem:v1+s16+$0x0] =	vst.idx.add.f32.msk $0xffff, v0  }
0x78: {  	[bflag:$0x0] =	sbarrier.arrive $0xFFFF  }
0x79: {  	[spmem:s1] =	stream.indirect.scatter.add.f32 [tilespmem:s16], [sflag:$0x3], $0x80, s14, s21, $0xb8;
	[tilespmem:$0x2C80] =	vst v63  }
0x7a: {  	_ =	swait.ge [sflag:s15], $0x2800  }
0x7b: {  	[sflag:s15] =	ssyncset.done $0x0  }
0x7c: {  	s22 =	sadd.s32 $0x1, s22;
	[sflag:s15] =	ssyncadd.s32 $0xFFFFD800  }
0x7d: {  	s23 =	simm.s32 @!p0 $0x1C03;
	p1 =	sne.s32 s22, s10;
	[bflag:$0x0] =	sbarrier.arrive $0xFFFF  }
0x7e: {  	[hbm:s9], [sflag:s23] =	dma.local @!p0 [spmem:s17], $0x500  }
.Ltmp1:
0x7f: {  	_ = 	snop;
	(pc) =	sbr.rel @p1 .LBB2_1-.Ltmp1, $4  }
0x80: {  	s23 =	simm.s32 @!p0 $0x3  }
0x81: {  	_ =	swait.ge @!p0 [sflag:s23], $0x500  }
0x82: {  	[sflag:s23] =	ssyncset.done @!p0 $0x0  }
0x83: {  	[sflag:s23] =	ssyncadd.s32 @!p0 $0xFFFFFB00  }
0x84: {  	_ =	sfence.sel $0x180000  }
0x85: {  	[bflag:$0x0] =	sbarrier.arrive $0xFFFF  }
0x86: {  	_ =	strace $0x90000047  }
0x87: {  	s0 =	sadd.s32 @!p0 $0x100000, s0;
	[bflag:$0x2] =	sbarrier.arrive $0xFFFF  }
0x88: {  	[sflag:s0] =	ssyncadd.tile.s32 @!p0 $0x1;
	_ =	shalt  }
.Lfunc_end2:
_tile_overlayer_lowered:
.L_overlay_start_2:
0x89: {  	(tag) =	ssettag $0x2  }
0x8a: {  	s0 =	rddreg [dreg:$0x0];
	s2 =	stileid.u32  }
0x8b: {  	s1 =	rddreg [dreg:$0x1];
	p0 =	sne.s32 s2, $0x0  }
0x8c: {  	s3 =	rddreg [dreg:$0x2];
	[bflag:$0x3] =	sbarrier.arrive $0xFFFF;
	s2 =	simm.s32 @!p0 $0x1C03  }
0x8d: {  	[timem:s3], [sflag:s2] =	dma.local @!p0 [hbm:s0], s1  }
0x8e: {  	s0 =	simm.s32 @!p0 $0x3  }
0x8f: {  	_ =	swait.ge @!p0 [sflag:s0], s1  }
0x90: {  	s1 =	ssub.s32 @!p0 $0x0, s1;
	[sflag:s0] =	ssyncset.done @!p0 $0x0  }
0x91: {  	[sflag:s0] =	ssyncadd.s32 @!p0 s1  }
0x92: {  	[bflag:$0x3] =	sbarrier.arrive $0xFFFF  }
0x93: {  	_ =	shalt  }

// kernel: kernel.9.cloned.1.call-start
scs
__scs_entry_jumppad:
0x0: {  	(pc) =	sbr.rel $0x88, $3  }
0x1: {  	(tag) =	ssettag $0x0;
	lr =	simm.s32 $0x1  }
0x2: {  	[smem:$0x3F98] =	sst lr;
	_ =	strace $0xD0000000  }
0x3: {  	_ = 	snop  }
0x4: {  	_ = 	snop  }
0x5: {  	_ = 	snop  }
0x6: {  	_ = 	snop  }
0x7: {  	_ = 	snop  }
__scs_overlays_trampoline_lowered:
0x8: {  	[smem:$0x3FA7] =	sst s0  }
0x9: {  	[smem:$0x3FA8] =	sst s1  }
0xa: {  	[smem:$0x3FA9] =	sst s2  }
0xb: {  	[smem:$0x3FAA] =	sst s3  }
0xc: {  	[smem:$0x3FAB] =	sst s4  }
0xd: {  	[smem:$0x3FAC] =	sst s5  }
0xe: {  	[smem:$0x3FAD] =	sst s6  }
0xf: {  	[smem:$0x3FAE] =	sst s7  }
0x10: {  	[smem:$0x3FAF] =	sst s8  }
0x11: {  	[smem:$0x3FB0] =	sst s9;
	s0 =	simm.s32 @!p0 $0x0  }
0x12: {  	s1 =	sld [smem:$0x3F96];
	s0 =	simm.s32 @p0 $0x1  }
0x13: {  	[smem:$0x3FB1] =	sst s0;
	s0 =	simm.s32 @!p1 $0x0  }
0x14: {  	s2 =	sld [smem:$0x3F95];
	s0 =	simm.s32 @p1 $0x1  }
0x15: {  	[smem:$0x3FB2] =	sst s0;
	s0 =	simm.s32 @!p2 $0x0  }
0x16: {  	s3 =	sld [smem:$0x3FDB];
	s0 =	simm.s32 @p2 $0x1  }
0x17: {  	s4 =	simm.s32 $0x1BF5;
	[smem:$0x3FB4] =	sst s0  }
0x18: {  	s0 =	sld [smem:$0x3F97];
	_ =	swait.ge [sflag:s4], $0x0  }
0x19: {  	s7 =	sld [smem:$0x3F98]  }
0x1a: {  	s8 =	sadd.s32 $0xFFFFE003, lr  }
0x1b: {  	s9 =	sadd.s32 $0xFFFFFEF7, lr;
	s5 =	simm.s32 $0xFFFFFFFF;
	p2 =	slt.u32 s8, $0xFFFFF086  }
0x1c: {  	p1 =	slt.u32 s9, $0xF7A;
	s5 =	simm.s32 @!p2 $0x0  }
0x1d: {  	s5 =	simm.s32 @p1 $0x1;
	p0 =	seq.s32 s7, s2  }
0x1e: {  	s7 =	smul.u32 @!p0 $0xF7A, s2;
	p2 =	seq.s32 @!p0 s5, $0x0  }
0x1f: {  	s9 =	smul.u32 $0xF7A, s1;
	s8 =	simm.s32 @!p0 $0x1BF5;
	p2 =	por !p2, p0  }
0x20: {  	[sflag:s8] =	ssyncset.s32 @!p0 $0xFFFFF086;
	s6 =	sadd.s32 @!p0 s3, s7;
	s7 =	simm.s32 @!p0 $0x108  }
0x21: {  	s3 =	sadd.s32 s3, s9;
	s6 =	sadd.s32 @!p0 $0x88, s6;
	s7 =	simm.s32 @p2 $0x1082  }
0x22: {  	[simem:s7], [sflag:s8] =	dma.local @!p0 [hbm:s6], $0xF7A  }
0x23: {  	s9 =	sor.u32 $0xD0000000, s2;
	s6 =	simm.s32 $0x108;
	_ =	swait.ge @!p0 [sflag:s8], $0x0  }
0x24: {  	s3 =	sadd.s32 $0x88, s3;
	s6 =	simm.s32 @!p1 $0x1082;
	[sflag:s4] =	ssyncset.s32 $0xFFFFF086  }
0x25: {  	[simem:s6], [sflag:s4] =	dma.local [hbm:s3], $0xF7A  }
0x26: {  	[smem:$0x3F98] =	sst s1;
	(tag) =	ssettag s2;
	_ =	strace s9  }
0x27: {  	s1 =	sld [smem:$0x3FA8]  }
0x28: {  	s2 =	sld [smem:$0x3FA9]  }
0x29: {  	s4 =	sld [smem:$0x3FAB]  }
0x2a: {  	p0 =	seq.s32 s5, $0x0;
	s5 =	sld [smem:$0x3FAC]  }
0x2b: {  	s6 =	sld [smem:$0x3FAD]  }
0x2c: {  	s7 =	sld [smem:$0x3FAE]  }
0x2d: {  	s3 =	simm.s32 $0x108;
	s8 =	sld [smem:$0x3FAF]  }
0x2e: {  	s3 =	simm.s32 @!p0 $0x1082;
	s9 =	sld [smem:$0x3FB0]  }
0x2f: {  	lr =	sadd.s32 s0, s3;
	s0 =	sld [smem:$0x3FA7]  }
0x30: {  	s3 =	sld [smem:$0x3FAA]  }
0x31: {  	[smem:$0x3FB3] =	sst s10  }
0x32: {  	s10 =	sld [smem:$0x3FB1];
	_ =	sdelay $0x3  }
0x33: {  	p0 =	seq.s32 s10, $0x1;
	s10 =	sld [smem:$0x3FB3];
	_ =	sdelay $0x3  }
0x34: {  	[smem:$0x3FB3] =	sst s10  }
0x35: {  	s10 =	sld [smem:$0x3FB2];
	_ =	sdelay $0x3  }
0x36: {  	p1 =	seq.s32 s10, $0x1;
	s10 =	sld [smem:$0x3FB3];
	_ =	sdelay $0x3  }
0x37: {  	[smem:$0x3FB3] =	sst s10  }
0x38: {  	s10 =	sld [smem:$0x3FB4]  }
0x39: {  	_ = 	snop;
	(pc) =	sbr.ind lr, $3  }
0x3a: {  	_ = 	snop  }
0x3b: {  	_ = 	snop  }
0x3c: {  	p2 =	seq.s32 s10, $0x1;
	s10 =	sld [smem:$0x3FB3]  }
0x3d: {  	_ =	shalt  }
0x3e: {  	_ =	shalt  }
0x3f: {  	_ =	shalt  }
0x40: {  	_ =	shalt  }
0x41: {  	_ =	shalt  }
0x42: {  	_ =	shalt  }
0x43: {  	_ =	shalt  }
0x44: {  	_ =	shalt  }
0x45: {  	_ =	shalt  }
0x46: {  	_ =	shalt  }
0x47: {  	_ =	shalt  }
0x48: {  	_ =	shalt  }
0x49: {  	_ =	shalt  }
0x4a: {  	_ =	shalt  }
0x4b: {  	_ =	shalt  }
0x4c: {  	_ =	shalt  }
0x4d: {  	_ =	shalt  }
0x4e: {  	_ =	shalt  }
0x4f: {  	_ =	shalt  }
0x50: {  	_ =	shalt  }
0x51: {  	_ =	shalt  }
0x52: {  	_ =	shalt  }
0x53: {  	_ =	shalt  }
0x54: {  	_ =	shalt  }
0x55: {  	_ =	shalt  }
0x56: {  	_ =	shalt  }
0x57: {  	_ =	shalt  }
0x58: {  	_ =	shalt  }
0x59: {  	_ =	shalt  }
0x5a: {  	_ =	shalt  }
0x5b: {  	_ =	shalt  }
0x5c: {  	_ =	shalt  }
0x5d: {  	_ =	shalt  }
0x5e: {  	_ =	shalt  }
0x5f: {  	_ =	shalt  }
0x60: {  	_ =	shalt  }
0x61: {  	_ =	shalt  }
0x62: {  	_ =	shalt  }
0x63: {  	_ =	shalt  }
0x64: {  	_ =	shalt  }
0x65: {  	_ =	shalt  }
0x66: {  	_ =	shalt  }
0x67: {  	_ =	shalt  }
0x68: {  	_ =	shalt  }
0x69: {  	_ =	shalt  }
0x6a: {  	_ =	shalt  }
0x6b: {  	_ =	shalt  }
0x6c: {  	_ =	shalt  }
0x6d: {  	_ =	shalt  }
0x6e: {  	_ =	shalt  }
0x6f: {  	_ =	shalt  }
0x70: {  	_ =	shalt  }
0x71: {  	_ =	shalt  }
0x72: {  	_ =	shalt  }
0x73: {  	_ =	shalt  }
0x74: {  	_ =	shalt  }
0x75: {  	_ =	shalt  }
0x76: {  	_ =	shalt  }
0x77: {  	_ =	shalt  }
0x78: {  	_ =	shalt  }
0x79: {  	_ =	shalt  }
0x7a: {  	_ =	shalt  }
0x7b: {  	_ =	shalt  }
0x7c: {  	_ =	shalt  }
0x7d: {  	_ =	shalt  }
0x7e: {  	_ =	shalt  }
0x7f: {  	_ =	shalt  }
0x80: {  	_ =	shalt  }
0x81: {  	_ =	shalt  }
0x82: {  	_ =	shalt  }
0x83: {  	_ =	shalt  }
0x84: {  	_ =	shalt  }
0x85: {  	_ =	shalt  }
0x86: {  	_ =	shalt  }
0x87: {  	_ =	shalt  }
.Lfunc_end0:
.L_simem_size_0:
called_computation.1_lowered:
.L_overlay_start_0:
0x88: {  	s2 =	sld [smem:$0x3FD9]  }
0x89: {  	s3 =	sld [smem:$0x3FFE];
	_ =	sdelay $0x1  }
0x8a: {  	s1 =	srdreg.scid  }
0x8b: {  	s0 =	sand.u32 $0x1, s1  }
0x8c: {  	s17 =	sshll.u32 s0, $0xA;
	s2 =	sadd.s32 s3, s2  }
0x8d: {  	s2 =	sadd.s32 s2, s17  }
0x8e: {  	[smem:$0x3FBF] =	sst s2  }
0x8f: {  	_ = 	snop  }
0x90: {  	s2 =	sld [smem:$0x3FD0];
	(tm) =	ssettm $0x1  }
0x91: {  	s18 =	sld [smem:$0x3FFB];
	_ =	sdelay $0x3  }
0x92: {  	_ =	strace s18  }
0x93: {  	s3 =	sld [smem:$0x3FFC];
	_ =	sdelay $0x3  }
0x94: {  	_ =	strace s3  }
0x95: {  	s3 =	sld [smem:$0x3FFD];
	_ =	sdelay $0x3  }
0x96: {  	_ =	strace s3  }
0x97: {  	_ =	strace $0x8FFFFFFF  }
0x98: {  	s19 =	sld [smem:$0x3FDB];
	_ =	sdelay $0x1  }
0x99: {  	s4 =	simm.s32 $_scs_section_size  }
0x9a: {  	s5 =	simm.s32 $_size__tile_overlayer_lowered;
	s6 =	simm.s32 $_tile_overlayer_lowered  }
0x9b: {  	s22 =	simm.s32 $0x1BFF;
	s21 =	sshll.u32 s6, $0x1;
	s3 =	sadd.s32 s4, s19  }
0x9c: {  	s7 =	simm.s32 $0x0;
	s20 =	sshll.u32 s5, $0x1;
	s5 =	sadd.s32 s21, s3  }
0x9d: {  	[timem:s7], [sflag:s22] =	dma.local [hbm:s5], s20  }
0x9e: {  	_ =	swait.ge [sflag:s22], s20  }
0x9f: {  	s4 =	ssub.s32 $0x0, s20;
	[sflag:s22] =	ssyncset.done $0x0  }
0xa0: {  	[sflag:s22] =	ssyncadd.s32 s4;
	_ =	sdelay $0x1  }
0xa1: {  	s23 =	simm.s32 $0x1B8B  }
0xa2: {  	_ =	swait.ge [sflag:s23], $0x1  }
0xa3: {  	[sflag:s23] =	ssyncset.done $0x0  }
0xa4: {  	s25 =	simm.s32 $0x1B8E;
	s24 =	sld [smem:$0x3FFE];
	[sflag:s23] =	ssyncadd.s32 $0xFFFFFFFF  }
0xa5: {  	s26 =	simm.s32 $execute0_lowered;
	[smem:$0x3FD2] =	sst s25  }
0xa6: {  	s5 =	sshll.u32 s26, $0x1;
	_ =	strace $0x80000049;
	[dreg:$0x1] =	wrdreg $0xFFFFFFFF  }
0xa7: {  	s28 =	simm.s32 $_size_execute0_lowered;
	s3 =	sadd.s32 s3, s5;
	[dreg:$0x0] =	wrdreg $0x0  }
0xa8: {  	s5 =	sshll.u32 s28, $0x1;
	[dreg:$0x2] =	wrdreg s3  }
0xa9: {  	[dreg:$0x3] =	wrdreg s5  }
0xaa: {  	[dreg:$0x4] =	wrdreg $0xC0  }
0xab: {  	_ =	task [dreg:s7], $0x5FFFF  }
0xac: {  	[dreg:$0x1] =	wrdreg $0xFFFFFFFF  }
0xad: {  	[dreg:$0x0] =	wrdreg $0x60  }
0xae: {  	[dreg:$0x2] =	wrdreg s2  }
0xaf: {  	[dreg:$0x3] =	wrdreg s24  }
0xb0: {  	[dreg:$0x4] =	wrdreg $0x83000  }
0xb1: {  	[dreg:$0x5] =	wrdreg $0x9  }
0xb2: {  	_ =	task.clear_ibuf [dreg:s7], $0x6FFFF;
	_ =	strace $0x90000049  }
0xb3: {  	s29 =	simm.s32 $0x9;
	_ =	strace $0x8000004B  }
0xb4: {  	_ =	swait.ge [sflag:s29], $0x1  }
0xb5: {  	[sflag:s29] =	ssyncadd.s32 $0xFFFFFFFF  }
0xb6: {  	_ =	strace $0x9000004B  }
0xb7: {  	_ =	sfence  }
0xb8: {  	s30 =	sld [smem:$0x0];
	_ =	sdelay $0x2  }
0xb9: {  	s31 =	sshll.u32 s1, $0xD;
	s1 =	sshrl.u32 s1, $0x2  }
0xba: {  	s3 =	sand.u32 $0x4000, s31;
	s1 =	sadd.s32 s1, s30  }
0xbb: {  	s0 =	sor.u32 s3, s0;
	s1 =	sshll.u32 s1, $0x11  }
0xbc: {  	s0 =	sor.u32 s1, s0  }
0xbd: {  	s0 =	sadd.s32 $0x8F2B, s0  }
0xbe: {  	[sflag:s0] =	ssyncadd.remote.s32 $0x1  }
0xbf: {  	_ =	sfence.sel $0xFFFF  }
0xc0: {  	[dreg:$0x0] =	wrdreg $0xFFFFFFFF;
	(pc) =	sbr.abs _section_cstart, $3  }
0xc1: {  	[dreg:$0x1] =	wrdreg $0xFFFFFFFF  }
0xc2: {  	_ =	task.clear_ibuf [dreg:s7], $0x2FFFF;
	_ =	strace $0x9FFFFFFF  }
0xc3: {  	(tm) =	ssettm $0x7FFFFFFF  }
tec
execute0_lowered:
.L_overlay_start_1:
0x0: {  	(tag) =	ssettag $0x1  }
0x1: {  	s1 =	rddreg [dreg:$0x0]  }
0x2: {  	s0 =	rddreg [dreg:$0x1]  }
0x3: {  	s3 =	rddreg [dreg:$0x2]  }
0x4: {  	s5 =	srdreg.scid;
	s2 =	stileid.u32;
	s4 =	simm.s32 $0x0  }
0x5: {  	s28 =	simm.s32 $0x100;
	s29 =	simm.s32 $0x80;
	s30 =	simm.s32 $0x180  }
0x6: {  	s31 =	simm.s32 $0x3;
	s6 =	sand.u32 $0x1, s5;
	s18 =	smul.u32 $0x4E000, s2  }
0x7: {  	s16 =	sshll.u32 s2, $0x1;
	[smem:$0x7FF] =	sst s4;
	s15 =	smul.u32 $0x13800, s2  }
0x8: {  	s7 =	sadd.s32 $0x2200, s0;
	s9 =	sadd.s32 $0xC000, s0;
	s24 =	smul.u32 $0x4E20, s2  }
0x9: {  	s5 =	sor.u32 s6, s16;
	_ =	strace $0x8000004A;
	s13 =	smul.u32 $0x138800, s6  }
0xa: {  	s10 =	ssub.s32 $0x2, s6;
	s25 =	smul.u32 $0x2710, s6;
	p3 =	sne.s32 s6, $0x0  }
0xb: {  	s6 =	simm.s32 $0x4;
	s8 =	smul.u32 $0x2710, s5;
	s5 =	sadd.s32 $0x64000, s0  }
0xc: {  	s0 =	sadd.s32 $0x66800, s0;
	s11 =	sshrl.u32 s10, $0x1;
	p1 =	seq.s32 @p3 s2, $0xF  }
0xd: {  	p4 =	seq.s32 @!p3 s2, $0xF;
	s10 =	ssub.s32 s10, s11;
	s11 =	sshrl.u32 s18, $0x2  }
0xe: {  	s23 =	sadd.s32 s15, s13;
	s13 =	sshrl.u32 s13, $0x3;
	p0 =	por !p1, !p3  }
0xf: {  	p1 =	por p1, !p3;
	p2 =	por !p4, p3;
	s8 =	sshrl.u32 s8, $0x3  }
0x10: {  	p3 =	por p4, p3;
	p4 =	seq.s32 s2, $0xF;
	s17 =	sadd.s32 s7, s8  }
0x11: {  	s12 =	sadd.s32 s9, s8;
	s19 =	sadd.s32 $0x10, s8;
	[dreg:$0x4] =	wrdreg s17  }
0x12: {  	s15 =	simm.s32 $0x10;
	[dreg:$0x5] =	wrdreg s12;
	s14 =	sadd.s32 s7, s19  }
0x13: {  	s20 =	sadd.s32 $0x4E0, s8;
	s12 =	sadd.s32 s9, s19;
	[dreg:$0x6] =	wrdreg s14  }
0x14: {  	s26 =	sadd.s32 $0x20, s8;
	s21 =	sadd.s32 s7, s20;
	[dreg:$0x7] =	wrdreg s12  }
0x15: {  	s8 =	sadd.s32 $0x30, s8;
	s22 =	sadd.s32 s9, s20;
	[dreg:$0x8] =	wrdreg s21  }
0x16: {  	s16 =	sadd.s32 s7, s26;
	s17 =	sadd.s32 s25, s24;
	[dreg:$0x9] =	wrdreg s22  }
0x17: {  	s18 =	sadd.s32 s7, s8;
	s8 =	sadd.s32 s9, s8;
	[dreg:$0xb] =	wrdreg s16  }
0x18: {  	s25 =	smax.u32 s10, $0x1;
	s10 =	simm.s32 $0x1;
	[dreg:$0xd] =	wrdreg s18  }
0x19: {  	s12 =	sshrl.u32 s23, $0x3;
	s19 =	sadd.s32 $0x280, s17;
	[dreg:$0xe] =	wrdreg s8  }
0x1a: {  	s21 =	sadd.s32 $0x200, s17;
	s23 =	smul.u32 $0x2700, s2;
	[dreg:$0x11] =	wrdreg s25  }
0x1b: {  	s8 =	simm.s32 $0x300;
	s16 =	simm.s32 $0x0;
	s12 =	sadd.s32 s0, s12  }
0x1c: {  	s0 =	sadd.s32 s0, s13;
	s20 =	sshrl.u32 s19, $0x3;
	s22 =	sshrl.u32 s21, $0x3  }
0x1d: {  	s21 =	sadd.s32 s11, s3;
	s11 =	simm.s32 $0x7;
	[dreg:$0xa] =	wrdreg s12  }
0x1e: {  	s12 =	sadd.s32 s9, s26;
	s17 =	sadd.s32 s20, s9;
	s18 =	sadd.s32 s20, s7  }
.Ltmp0:
0x1f: {  	s19 =	sadd.s32 s22, s9;
	s20 =	sadd.s32 s22, s7;
	(pc) =	sbr.rel .LBB2_1-.Ltmp0, $4  }
0x20: {  	s22 =	sadd.s32 $0x124800, s3;
	s24 =	sadd.s32 s1, s23;
	[dreg:$0xc] =	wrdreg s12  }
0x21: {  	s0 =	sadd.s32 $0x24900, s0;
	s26 =	sadd.s32 $0x24900, s1;
	[dreg:$0xf] =	wrdreg s24  }
0x22: {  	s7 =	simm.s32 $0x6;
	s9 =	simm.s32 $0x4300;
	[dreg:$0x10] =	wrdreg s0  }
0x23: {  	[dreg:$0x12] =	wrdreg s26;
	s0 =	simm.s32 $0x5;
	s12 =	simm.s32 $0x2  }
.LBB2_4:
0x24: {  	s13 =	rddreg [dreg:$0x8];
	s14 =	simm.s32 $0x200  }
0x25: {  	[tilespmem:s14], [sflag:$0x7] =	stream.linear.gather [hbm4b:s13+s4], $0x10, $0x38;
	[tilespmem:$0x1BB80] =	vst v63  }
0x26: {  	_ =	swait.ge [sflag:s11], $0x10  }
0x27: {  	[sflag:s11] =	ssyncset.done $0x0  }
0x28: {  	s23 =	simm.s32 $0x280;
	s25 =	rddreg [dreg:$0x9];
	[sflag:s11] =	ssyncadd.s32 $0xFFFFFFF0  }
0x29: {  	[tilespmem:s23], [sflag:$0x7] =	stream.linear.gather [hbm4b:s25+s4], $0x10, $0x38;
	[tilespmem:$0x1BB80] =	vst v63  }
0x2a: {  	_ =	swait.ge [sflag:s11], $0x10  }
0x2b: {  	[sflag:s11] =	ssyncset.done $0x0  }
0x2c: {  	[sflag:s11] =	ssyncadd.s32 $0xFFFFFFF0  }
0x2d: {  	[tilespmem:s8], [sflag:$0x1] =	stream.indirect.gather [hbm4b:s1+s15], $0x80, s14, s15, $0xb8;
	[tilespmem:$0x1BB80] =	vst v63  }
0x2e: {  	_ =	swait.ge [sflag:s10], $0x800  }
0x2f: {  	[sflag:s10] =	ssyncset.done $0x0  }
0x30: {  	[sflag:s10] =	ssyncadd.s32 $0xFFFFF800  }
0x31: {  	[spmem:s3] =	stream.indirect.scatter.add.f32 [tilespmem:s8], [sflag:$0x7], $0x80, s23, s15, $0xb8;
	[tilespmem:$0x1BB80] =	vst v63  }
0x32: {  	_ =	swait.ge [sflag:s11], $0x800  }
0x33: {  	[sflag:s11] =	ssyncset.done $0x0  }
0x34: {  	[sflag:s11] =	ssyncadd.s32 $0xFFFFF800  }
0x35: {  	[bflag:$0x0] =	sbarrier.arrive $0xFFFF  }
0x36: {  	s13 =	sshrl.u32 @p4 s22, $0x3;
	s14 =	simm.s32 @p4 $0x1FC7;
	s23 =	rddreg [dreg:$0x10]  }
0x37: {  	[hbm:s23], [sflag:s14] =	dma.local @p4 [spmem:s13], $0x2800  }
0x38: {  	s13 =	simm.s32 @p4 $0x7  }
0x39: {  	_ =	swait.ge @p4 [sflag:s13], $0x2800  }
0x3a: {  	s14 =	sshll.u32 @!p4 s2, $0x6;
	[sflag:s13] =	ssyncset.done @p4 $0x0;
	s23 =	rddreg [dreg:$0xa]  }
0x3b: {  	[sflag:s13] =	ssyncadd.s32 @p4 $0xFFFFD800;
	s13 =	sor.u32 @!p4 $0x1C07, s14;
	s14 =	sshrl.u32 @!p4 s21, $0x3  }
0x3c: {  	[hbm:s23], [sflag:s13] =	dma.local @!p4 [spmem:s14], $0x2700  }
0x3d: {  	s13 =	simm.s32 @!p4 $0x7  }
0x3e: {  	_ =	swait.ge @!p4 [sflag:s13], $0x2700  }
0x3f: {  	s16 =	sadd.s32 $0x1, s16;
	s26 =	rddreg [dreg:$0x11]  }
0x40: {  	p5 =	sne.s32 s16, s26  }
.Ltmp1:
0x41: {  	_ = 	snop;
	(pc) =	sbr.rel @!p5 .LBB2_5-.Ltmp1, $3  }
0x42: {  	_ =	sdelay $0x1  }
0x43: {  	[sflag:s13] =	ssyncset.done @!p4 $0x0  }
0x44: {  	[sflag:s13] =	ssyncadd.s32 @!p4 $0xFFFFD900  }
.LBB2_1:
0x45: {  	s13 =	rddreg [dreg:$0x4]  }
0x46: {  	[tilespmem:s4], [sflag:$0x3] =	stream.linear.gather [hbm4b:s13+s4], $0x80, $0x38;
	[tilespmem:$0x1BB80] =	vst v63  }
0x47: {  	s25 =	rddreg [dreg:$0x5]  }
0x48: {  	[tilespmem:s28], [sflag:$0x5] =	stream.linear.gather [hbm4b:s25+s4], $0x80, $0x38;
	[tilespmem:$0x1BB80] =	vst v63  }
0x49: {  	s26 =	rddreg [dreg:$0x6]  }
0x4a: {  	[tilespmem:s29], [sflag:$0x4] =	stream.linear.gather [hbm4b:s26+s4], $0x80, $0x38;
	[tilespmem:$0x1BB80] =	vst v63  }
0x4b: {  	s14 =	rddreg [dreg:$0x7];
	s23 =	sshrl.u32 @!p0 s22, $0x3;
	s24 =	simm.s32 @!p0 $0x1FC7  }
0x4c: {  	[tilespmem:s30], [sflag:$0x6] =	stream.linear.gather [hbm4b:s14+s4], $0x80, $0x38;
	[tilespmem:$0x1BB80] =	vst v63  }
0x4d: {  	[spmem:s23], [sflag:s24] =	dma.local @!p0 [hbm:s5], $0x2800  }
0x4e: {  	s23 =	simm.s32 @!p0 $0x7  }
0x4f: {  	_ =	swait.ge @!p0 [sflag:s23], $0x2800  }
0x50: {  	s24 =	sshll.u32 @!p1 s2, $0x6;
	[sflag:s23] =	ssyncset.done @!p0 $0x0  }
0x51: {  	[sflag:s23] =	ssyncadd.s32 @!p0 $0xFFFFD800;
	s23 =	sor.u32 @!p1 $0x1C07, s24;
	s24 =	sshrl.u32 @!p1 s21, $0x3  }
0x52: {  	[spmem:s24], [sflag:s23] =	dma.local @!p1 [hbm:s5], $0x2700  }
0x53: {  	s23 =	simm.s32 @!p1 $0x7  }
0x54: {  	_ =	swait.ge @!p1 [sflag:s23], $0x2700  }
0x55: {  	s24 =	simm.s32 @!p2 $0x1FC7;
	[sflag:s23] =	ssyncset.done @!p1 $0x0  }
0x56: {  	s13 =	rddreg [dreg:$0x12];
	[sflag:s23] =	ssyncadd.s32 @!p1 $0xFFFFD900;
	s23 =	sshrl.u32 @!p2 s22, $0x3  }
0x57: {  	[spmem:s23], [sflag:s24] =	dma.local @!p2 [hbm:s13], $0x2800  }
0x58: {  	s23 =	simm.s32 @!p2 $0x7  }
0x59: {  	_ =	swait.ge @!p2 [sflag:s23], $0x2800  }
0x5a: {  	s24 =	sshll.u32 @!p3 s2, $0x6;
	[sflag:s23] =	ssyncset.done @!p2 $0x0;
	s13 =	rddreg [dreg:$0xf]  }
0x5b: {  	[sflag:s23] =	ssyncadd.s32 @!p2 $0xFFFFD800;
	s23 =	sor.u32 @!p3 $0x1C07, s24;
	s24 =	sshrl.u32 @!p3 s21, $0x3  }
0x5c: {  	[spmem:s24], [sflag:s23] =	dma.local @!p3 [hbm:s13], $0x2700  }
0x5d: {  	s23 =	simm.s32 @!p3 $0x7  }
0x5e: {  	_ =	swait.ge @!p3 [sflag:s23], $0x2700  }
0x5f: {  	[sflag:s23] =	ssyncset.done @!p3 $0x0  }
0x60: {  	[sflag:s23] =	ssyncadd.s32 @!p3 $0xFFFFD900  }
0x61: {  	_ =	swait.ge [sflag:s31], $0x80  }
0x62: {  	[sflag:s31] =	ssyncset.done $0x0  }
0x63: {  	[sflag:s31] =	ssyncadd.s32 $0xFFFFFF80  }
0x64: {  	_ =	swait.ge [sflag:s0], $0x80  }
0x65: {  	[sflag:s0] =	ssyncset.done $0x0  }
0x66: {  	[sflag:s0] =	ssyncadd.s32 $0xFFFFFF80  }
0x67: {  	_ =	swait.ge [sflag:s6], $0x80  }
0x68: {  	[sflag:s6] =	ssyncset.done $0x0  }
0x69: {  	[sflag:s6] =	ssyncadd.s32 $0xFFFFFF80  }
0x6a: {  	_ =	swait.ge [sflag:s7], $0x80  }
0x6b: {  	[sflag:s7] =	ssyncset.done $0x0  }
0x6c: {  	[sflag:s7] =	ssyncadd.s32 $0xFFFFFF80  }
0x6d: {  	[bflag:$0x0] =	sbarrier.arrive $0xFFFF  }
0x6e: {  	[tilespmem:s8], [sflag:$0x1] =	stream.indirect.gather [hbm4b:s1+s29], $0x80, s4, s29, $0xb8;
	[tilespmem:$0x1BB80] =	vst v63  }
0x6f: {  	_ = 	snop  }
0x70: {  	[tilespmem:s9], [sflag:$0x2] =	stream.indirect.gather [hbm4b:s1+s29], $0x80, s29, s29, $0xb8;
	[tilespmem:$0x1BB80] =	vst v63  }
0x71: {  	_ =	swait.ge [sflag:s10], $0x4000  }
0x72: {  	[sflag:s10] =	ssyncset.done $0x0  }
0x73: {  	s23 =	rddreg [dreg:$0xb];
	[sflag:s10] =	ssyncadd.s32 $0xFFFFC000  }
0x74: {  	[tilespmem:s4], [sflag:$0x3] =	stream.linear.gather [hbm4b:s23+s4], $0x80, $0x38;
	[tilespmem:$0x1BB80] =	vst v63  }
0x75: {  	_ = 	snop  }
0x76: {  	[spmem:s3] =	stream.indirect.scatter.add.f32 [tilespmem:s8], [sflag:$0x7], $0x80, s28, s29, $0xb8;
	[tilespmem:$0x1BB80] =	vst v63  }
0x77: {  	_ =	swait.ge [sflag:s11], $0x4000  }
0x78: {  	[sflag:s11] =	ssyncset.done $0x0  }
0x79: {  	s24 =	rddreg [dreg:$0xc];
	[sflag:s11] =	ssyncadd.s32 $0xFFFFC000  }
0x7a: {  	[tilespmem:s28], [sflag:$0x5] =	stream.linear.gather [hbm4b:s24+s4], $0x80, $0x38;
	[tilespmem:$0x1BB80] =	vst v63  }
0x7b: {  	_ =	swait.ge [sflag:s31], $0x80  }
0x7c: {  	[sflag:s31] =	ssyncset.done $0x0  }
0x7d: {  	[sflag:s31] =	ssyncadd.s32 $0xFFFFFF80  }
0x7e: {  	[tilespmem:s8], [sflag:$0x1] =	stream.indirect.gather [hbm4b:s1+s29], $0x80, s4, s29, $0xb8;
	[tilespmem:$0x1BB80] =	vst v63  }
0x7f: {  	_ =	swait.ge [sflag:s12], $0x4000  }
0x80: {  	[sflag:s12] =	ssyncset.done $0x0  }
0x81: {  	[sflag:s12] =	ssyncadd.s32 $0xFFFFC000  }
0x82: {  	[spmem:s3] =	stream.indirect.scatter.add.f32 [tilespmem:s9], [sflag:$0x7], $0x80, s30, s29, $0xb8;
	[tilespmem:$0x1BB80] =	vst v63  }
0x83: {  	_ =	swait.ge [sflag:s11], $0x4000  }
0x84: {  	[sflag:s11] =	ssyncset.done $0x0  }
0x85: {  	s25 =	rddreg [dreg:$0xd];
	[sflag:s11] =	ssyncadd.s32 $0xFFFFC000  }
0x86: {  	[tilespmem:s29], [sflag:$0x4] =	stream.linear.gather [hbm4b:s25+s4], $0x80, $0x38;
	[tilespmem:$0x1BB80] =	vst v63  }
0x87: {  	s23 =	simm.s32 $0x0;
	s26 =	rddreg [dreg:$0xe]  }
0x88: {  	[tilespmem:s30], [sflag:$0x6] =	stream.linear.gather [hbm4b:s26+s4], $0x80, $0x38;
	[tilespmem:$0x1BB80] =	vst v63  }
.LBB2_2:
0x89: {  	_ =	swait.ge [sflag:s6], $0x80  }
0x8a: {  	[sflag:s6] =	ssyncset.done $0x0  }
0x8b: {  	[sflag:s6] =	ssyncadd.s32 $0xFFFFFF80  }
0x8c: {  	[tilespmem:s9], [sflag:$0x2] =	stream.indirect.gather [hbm4b:s1+s29], $0x80, s29, s29, $0xb8;
	[tilespmem:$0x1BB80] =	vst v63  }
0x8d: {  	_ =	swait.ge [sflag:s10], $0x4000  }
0x8e: {  	p5 =	seq.s32 s23, $0x4A0;
	[sflag:s10] =	ssyncset.done $0x0  }
0x8f: {  	s24 =	simm.s32 @p5 $0x5;
	[sflag:s10] =	ssyncadd.s32 $0xFFFFC000  }
0x90: {  	_ =	swait.ge @p5 [sflag:s24], $0x80  }
0x91: {  	s25 =	simm.s32 @p5 $0x100;
	[sflag:s24] =	ssyncset.done @p5 $0x0  }
0x92: {  	s26 =	simm.s32 @p5 $0x300;
	[sflag:s24] =	ssyncadd.s32 @p5 $0xFFFFFF80;
	s24 =	simm.s32 @p5 $0x80  }
0x93: {  	[spmem:s3] =	stream.indirect.scatter.add.f32 @p5 [tilespmem:s26], [sflag:$0x7], $0x80, s25, s24, $0xb8;
	[tilespmem:$0x1BB80] =	vst v63  }
0x94: {  	s24 =	simm.s32 @p5 $0x7  }
0x95: {  	_ =	swait.ge @p5 [sflag:s24], $0x4000  }
0x96: {  	[sflag:s24] =	ssyncset.done @p5 $0x0  }
0x97: {  	s25 =	simm.s32 @!p5 $0x0;
	[sflag:s24] =	ssyncadd.s32 @p5 $0xFFFFC000;
	s24 =	sadd.s32 @!p5 s23, s20  }
0x98: {  	[tilespmem:s25], [sflag:$0x3] =	stream.linear.gather @!p5 [hbm4b:s24+s25], $0x80, $0x38;
	[tilespmem:$0x1BB80] =	vst v63  }
0x99: {  	s24 =	simm.s32 @!p5 $0x5  }
0x9a: {  	_ =	swait.ge @!p5 [sflag:s24], $0x80  }
0x9b: {  	s13 =	simm.s32 @!p5 $0x300;
	s14 =	simm.s32 @!p5 $0x7;
	[sflag:s24] =	ssyncset.done @!p5 $0x0  }
0x9c: {  	s26 =	simm.s32 @!p5 $0x100;
	[sflag:s24] =	ssyncadd.s32 @!p5 $0xFFFFFF80;
	s24 =	simm.s32 @!p5 $0x80  }
0x9d: {  	[spmem:s3] =	stream.indirect.scatter.add.f32 @!p5 [tilespmem:s13], [sflag:$0x7], $0x80, s26, s24, $0xb8;
	[tilespmem:$0x1BB80] =	vst v63  }
0x9e: {  	_ =	swait.ge @!p5 [sflag:s14], $0x4000  }
0x9f: {  	[sflag:s14] =	ssyncset.done @!p5 $0x0  }
0xa0: {  	[sflag:s14] =	ssyncadd.s32 @!p5 $0xFFFFC000;
	s14 =	sadd.s32 @!p5 s23, s19  }
0xa1: {  	[tilespmem:s26], [sflag:$0x5] =	stream.linear.gather @!p5 [hbm4b:s14+s25], $0x80, $0x38;
	[tilespmem:$0x1BB80] =	vst v63  }
0xa2: {  	s14 =	simm.s32 @!p5 $0x3  }
0xa3: {  	_ =	swait.ge @!p5 [sflag:s14], $0x80  }
0xa4: {  	[sflag:s14] =	ssyncset.done @!p5 $0x0  }
0xa5: {  	[sflag:s14] =	ssyncadd.s32 @!p5 $0xFFFFFF80  }
0xa6: {  	[tilespmem:s13], [sflag:$0x1] =	stream.indirect.gather @!p5 [hbm4b:s1+s24], $0x80, s25, s24, $0xb8;
	[tilespmem:$0x1BB80] =	vst v63  }
0xa7: {  	_ =	swait.ge [sflag:s12], $0x4000  }
0xa8: {  	[sflag:s12] =	ssyncset.done $0x0  }
0xa9: {  	[sflag:s12] =	ssyncadd.s32 $0xFFFFC000  }
0xaa: {  	_ =	swait.ge [sflag:s7], $0x80  }
0xab: {  	[sflag:s7] =	ssyncset.done $0x0  }
.Ltmp2:
0xac: {  	[sflag:s7] =	ssyncadd.s32 $0xFFFFFF80;
	(pc) =	sbr.rel @p5 .LBB2_4-.Ltmp2, $4  }
0xad: {  	[spmem:s3] =	stream.indirect.scatter.add.f32 [tilespmem:s9], [sflag:$0x7], $0x80, s30, s29, $0xb8;
	[tilespmem:$0x1BB80] =	vst v63  }
0xae: {  	_ =	swait.ge [sflag:s11], $0x4000  }
0xaf: {  	[sflag:s11] =	ssyncset.done $0x0  }
0xb0: {  	[sflag:s11] =	ssyncadd.s32 $0xFFFFC000  }
.Ltmp3:
0xb1: {  	(pc) =	sbr.rel .LBB2_2-.Ltmp3, $4  }
0xb2: {  	s13 =	sadd.s32 s23, s18  }
0xb3: {  	[tilespmem:s29], [sflag:$0x4] =	stream.linear.gather [hbm4b:s13+s4], $0x80, $0x38;
	[tilespmem:$0x1BB80] =	vst v63  }
0xb4: {  	s26 =	sadd.s32 s23, s17;
	s23 =	sadd.s32 $0x20, s23  }
0xb5: {  	[tilespmem:s30], [sflag:$0x6] =	stream.linear.gather [hbm4b:s26+s4], $0x80, $0x38;
	[tilespmem:$0x1BB80] =	vst v63  }
.LBB2_5:
0xb6: {  	_ =	sfence.sel $0x180000  }
0xb7: {  	[bflag:$0x0] =	sbarrier.arrive $0xFFFF  }
0xb8: {  	_ =	strace $0x9000004A  }
0xb9: {  	[bflag:$0x2] =	sbarrier.arrive $0xFFFF  }
0xba: {  	p0 =	sne.s32 s2, $0x0;
	s0 =	rddreg [dreg:$0x3]  }
0xbb: {  	s0 =	sadd.s32 @!p0 $0x100000, s0  }
0xbc: {  	[sflag:s0] =	ssyncadd.tile.s32 @!p0 $0x1;
	_ =	shalt  }
.Lfunc_end2:
_tile_overlayer_lowered:
.L_overlay_start_2:
0xbd: {  	(tag) =	ssettag $0x2  }
0xbe: {  	s0 =	rddreg [dreg:$0x0];
	s2 =	stileid.u32  }
0xbf: {  	s1 =	rddreg [dreg:$0x1];
	p0 =	sne.s32 s2, $0x0  }
0xc0: {  	s3 =	rddreg [dreg:$0x2];
	[bflag:$0x3] =	sbarrier.arrive $0xFFFF;
	s2 =	simm.s32 @!p0 $0x1C07  }
0xc1: {  	[timem:s3], [sflag:s2] =	dma.local @!p0 [hbm:s0], s1  }
0xc2: {  	s0 =	simm.s32 @!p0 $0x7  }
0xc3: {  	_ =	swait.ge @!p0 [sflag:s0], s1  }
0xc4: {  	s1 =	ssub.s32 @!p0 $0x0, s1;
	[sflag:s0] =	ssyncset.done @!p0 $0x0  }
0xc5: {  	[sflag:s0] =	ssyncadd.s32 @!p0 s1  }
0xc6: {  	[bflag:$0x3] =	sbarrier.arrive $0xFFFF  }
0xc7: {  	_ =	shalt  }

</sc_bundles>
